<compile_context>
chip_gen: v7x
topology: tpu7x:2x2x1
jax: 0.10.2.dev20260603
libtpu: 0.0.44.dev20260713+nightly
codegen_flags: <defaults>
</compile_context>

<pallas_src>
import functools

import jax
import jax.numpy as jnp
from jax import lax
from jax.experimental import pallas as pl
from jax.experimental.pallas import tpu as pltpu
from jax.experimental.pallas import tpu_sc as plsc

_REG = 0.01
_EMB = 32
_NW = 32
_IDX = 128
_BK = 32768

def _dense_body(pt_ref, qt_ref, rt_ref, w_ref,
                pwp_ref, pwq_ref, pwr_ref, spp_ref, spq_ref, spr_ref):
    ones = jnp.ones((1, _EMB), jnp.float32)
    w = w_ref[...]
    wn = w / jnp.maximum(jnp.sqrt(jnp.sum(w * w)), 1.0)
    for t, (t_ref, pw_ref, sp_ref) in enumerate(
            ((pt_ref, pwp_ref, spp_ref), (qt_ref, pwq_ref, spq_ref),
             (rt_ref, pwr_ref, spr_ref))):
        x = t_ref[...]
        wt = wn[0:1, t * _EMB:(t + 1) * _EMB]
        pw = jax.lax.dot_general(
            wt, x, (((1,), (0,)), ((), ())),
            preferred_element_type=jnp.float32)
        sp = jax.lax.dot_general(
            ones, x * x, (((1,), (0,)), ((), ())),
            preferred_element_type=jnp.float32)
        pw_ref[...] = pw.reshape(pw_ref.shape)
        sp_ref[...] = sp.reshape(sp_ref.shape)


def _combine(B):
    BPW = B // _NW
    G = BPW // _IDX
    mesh = plsc.VectorSubcoreMesh(core_axis_name="c", subcore_axis_name="s")

    @functools.partial(
        pl.kernel,
        mesh=mesh,
        out_type=[
            jax.ShapeDtypeStruct((B,), jnp.float32),
            jax.ShapeDtypeStruct((_NW, 48), jnp.float32),
        ],
        scratch_types=[
            pltpu.VMEM((3 * BPW,), jnp.int32),
            pltpu.VMEM((3 * BPW,), jnp.float32),
            pltpu.VMEM((3 * BPW,), jnp.float32),
            pltpu.VMEM((BPW,), jnp.float32),
            pltpu.VMEM((48,), jnp.float32),
            pltpu.SemaphoreType.DMA,
        ],
    )
    def k(ps_h, qs_h, rs_h, pwp_h, pwq_h, pwr_h, spp_h, spq_h, spr_h,
          inf_h, parts_h, idxv, pwv, spv, infv, sqv, sem):
        wid = lax.axis_index("c") * 16 + lax.axis_index("s")
        base = wid * BPW

        tabs = ((ps_h, pwp_h, spp_h), (qs_h, pwq_h, spq_h),
                (rs_h, pwr_h, spr_h))
        for t, (i_h, _, _) in enumerate(tabs):
            pltpu.sync_copy(i_h.at[pl.ds(base, BPW)],
                            idxv.at[pl.ds(t * BPW, BPW)])
        cps = []
        for t, (_, pw_h, sp_h) in enumerate(tabs):
            for g in range(G):
                sl = pl.ds(t * BPW + g * _IDX, _IDX)
                cps.append(pltpu.async_copy(pw_h.at[idxv.at[sl]],
                                            pwv.at[sl], sem))
                cps.append(pltpu.async_copy(sp_h.at[idxv.at[sl]],
                                            spv.at[sl], sem))
        for c in cps:
            c.wait()
        for t in range(3):

            def chunk(v, sq, t=t):
                sl = pl.ds(t * BPW + v * 16, 16)
                so = pl.ds(v * 16, 16)
                if t == 0:
                    infv[so] = pwv[sl]
                else:
                    infv[so] = infv[so] + pwv[sl]
                return sq + spv[sl]

            sq = lax.fori_loop(0, BPW // 16, chunk,
                               jnp.zeros((16,), jnp.float32))
            sqv[pl.ds(16 * t, 16)] = sq

        pltpu.sync_copy(infv, inf_h.at[pl.ds(base, BPW)])
        pltpu.sync_copy(sqv, parts_h.at[wid])

    return k


def kernel(ps, qs, rs, P, Q, R, W):
    B = ps.shape[0]
    nblk = pl.cdiv(P.shape[0], _BK)
    tab_spec = pl.BlockSpec((_EMB, _BK), lambda i: (0, i))
    vec_spec = pl.BlockSpec((_BK,), lambda i: (i,))
    pwp, pwq, pwr, spp, spq, spr = pl.pallas_call(
        _dense_body,
        grid=(nblk,),
        in_specs=[tab_spec, tab_spec, tab_spec,
                  pl.BlockSpec((1, 3 * _EMB), lambda i: (0, 0))],
        out_specs=[vec_spec] * 6,
        out_shape=[jax.ShapeDtypeStruct((P.shape[0],), jnp.float32)] * 6,
        compiler_params=pltpu.CompilerParams(
            dimension_semantics=("parallel",)),
    )(P.T, Q.T, R.T, W.astype(jnp.float32))

    inf, parts = _combine(B)(ps.astype(jnp.int32), qs.astype(jnp.int32),
                             rs.astype(jnp.int32),
                             pwp, pwq, pwr, spp, spq, spr)
    s = parts.reshape(_NW, 3, 16).sum(axis=(0, 2))
    regs = _REG * (jnp.sqrt(s[0]) + jnp.sqrt(s[1]) + jnp.sqrt(s[2]))
    return inf.reshape(B, 1), regs

# --- scband reference (transcript-rebuilt; emitter-appended) ---
"""Pipeline reference for scband-deep-wide-triple-22136261444359 (READ-ONLY COPY).

The authoritative reference and input builder live on the scoring server;
editing this copy changes nothing except your own understanding.
"""

import jax, jax.numpy as jnp
import numpy as np

NUM_PS = 1000000
NUM_QS = 1000000
NUM_RS = 1000000
EMB = 32
REG = 0.01
BATCH = 16384


def setup_inputs(seed: int = 0) -> dict:
    key = jax.random.key(seed)
    k1, k2, k3, k4, k5, k6, k7 = jax.random.split(key, 7)
    ps = jax.random.randint(k1, (BATCH,), 0, NUM_PS, dtype=jnp.int64) if jax.config.jax_enable_x64 else jax.random.randint(k1, (BATCH,), 0, NUM_PS, dtype=jnp.int32)
    qs = jax.random.randint(k2, (BATCH,), 0, NUM_QS, dtype=ps.dtype)
    rs = jax.random.randint(k3, (BATCH,), 0, NUM_RS, dtype=ps.dtype)
    P = jax.random.normal(k4, (NUM_PS, EMB), dtype=jnp.float32)
    Q = jax.random.normal(k5, (NUM_QS, EMB), dtype=jnp.float32)
    R = jax.random.normal(k6, (NUM_RS, EMB), dtype=jnp.float32)
    W = jax.random.normal(k7, (1, 3 * EMB), dtype=jnp.float32) * (1.0 / np.sqrt(3 * EMB))
    return {"ps": ps, "qs": qs, "rs": rs, "P": P, "Q": Q, "R": R, "W": W}


def reference(ps, qs, rs, P, Q, R, W):
    # constrain(W): row-wise L2 norm, clamp at min 1.0, divide
    c = jnp.linalg.norm(W, ord=2, axis=1, keepdims=True)
    c = jnp.maximum(c, 1.0)
    W_c = W / c
    ps_embedding = jnp.take(P, ps, axis=0)
    qs_embedding = jnp.take(Q, qs, axis=0)
    rs_embedding = jnp.take(R, rs, axis=0)
    cat = jnp.concatenate([ps_embedding, qs_embedding, rs_embedding], axis=-1)
    inferences = cat @ W_c.T  # [B, 1], Linear with no bias
    regs = REG * (jnp.linalg.norm(ps_embedding) + jnp.linalg.norm(qs_embedding) + jnp.linalg.norm(rs_embedding))
    return (inferences, regs)

if __name__ == "__main__":
    import jax
    _d = setup_inputs()
    print(jax.jit(kernel)(*tuple(_d.values())))

</pallas_src>

<mosaic_0001>
#map = affine_map<(d0, d1) -> (0)>
#map1 = affine_map<(d0, d1) -> (0, 0)>
module attributes {stable_mosaic.version = 14 : i64} {
  func.func @k(%arg0: i32, %arg1: i32, %arg2: memref<16384xi32, #tpu.memory_space<hbm>>, %arg3: memref<16384xi32, #tpu.memory_space<hbm>>, %arg4: memref<16384xi32, #tpu.memory_space<hbm>>, %arg5: memref<1000000xf32, #tpu.memory_space<hbm>>, %arg6: memref<1000000xf32, #tpu.memory_space<hbm>>, %arg7: memref<1000000xf32, #tpu.memory_space<hbm>>, %arg8: memref<1000000xf32, #tpu.memory_space<hbm>>, %arg9: memref<1000000xf32, #tpu.memory_space<hbm>>, %arg10: memref<1000000xf32, #tpu.memory_space<hbm>>, %arg11: memref<16384xf32, #tpu.memory_space<hbm>>, %arg12: memref<32x48xf32, #tpu.memory_space<hbm>>, %arg13: memref<1536xi32, #tpu.memory_space<vmem>>, %arg14: memref<1536xf32, #tpu.memory_space<vmem>>, %arg15: memref<1536xf32, #tpu.memory_space<vmem>>, %arg16: memref<512xf32, #tpu.memory_space<vmem>>, %arg17: memref<48xf32, #tpu.memory_space<vmem>>, %arg18: memref<!tpu.dma_semaphore, #tpu.memory_space<semaphore_mem>>) attributes {dimension_semantics = [#tpu.dimension_semantics<core_parallel>, #tpu.dimension_semantics<subcore_parallel>], iteration_bounds = array<i64: 2, 16>, scalar_prefetch = 0 : i64, scratch_operands = 6 : i64, tpu.core_type = #tpu.core_type<sc_vector_subcore>, window_params = [{transform_indices = #map}, {transform_indices = #map}, {transform_indices = #map}, {transform_indices = #map}, {transform_indices = #map}, {transform_indices = #map}, {transform_indices = #map}, {transform_indices = #map}, {transform_indices = #map}, {transform_indices = #map}, {transform_indices = #map1}]} {
    %mul3A = arith.constant 16 : i32
    %mul3A_0 = arith.muli %arg0, %mul3A : i32
    %add3A = arith.addi %mul3A_0, %arg1 : i32
    %mul3A_1 = arith.constant 512 : i32
    %mul3A_2 = arith.muli %add3A, %mul3A_1 : i32
    "tpu.region"() ({
      %run_scoped3A = tpu.sem_alloc : memref<!tpu.dma_semaphore, #tpu.memory_space<semaphore_mem>>
      %dma_start3A_322 = arith.constant 0 : i32
      %dma_start3A_323 = tpu.memref_slice %arg13[%dma_start3A_322] : memref<1536xi32, #tpu.memory_space<vmem>> -> memref<512xi32, #tpu.memory_space<vmem>>
      %dma_start3A_324 = tpu.memref_slice %arg2[%mul3A_2] : memref<16384xi32, #tpu.memory_space<hbm>> -> memref<512xi32, #tpu.memory_space<hbm>>
      %dma_start3A_325 = arith.constant 0 : i32
      %dma_start3A_326 = tpu.memref_slice %arg13[%dma_start3A_325] : memref<1536xi32, #tpu.memory_space<vmem>> -> memref<512xi32, #tpu.memory_space<vmem>>
      %dma_start3A_327 = tpu.memref_slice %arg2[%mul3A_2] : memref<16384xi32, #tpu.memory_space<hbm>> -> memref<512xi32, #tpu.memory_space<hbm>>
      tpu.enqueue_dma source(%dma_start3A_327 : memref<512xi32, #tpu.memory_space<hbm>>) target(%dma_start3A_326 : memref<512xi32, #tpu.memory_space<vmem>>) target_semaphore(%run_scoped3A : memref<!tpu.dma_semaphore, #tpu.memory_space<semaphore_mem>>)
      %dma_wait3A_328 = arith.constant 0 : i32
      %dma_wait3A_329 = tpu.memref_slice %arg13[%dma_wait3A_328] : memref<1536xi32, #tpu.memory_space<vmem>> -> memref<512xi32, #tpu.memory_space<vmem>>
      %dma_wait3A_330 = tpu.memref_slice %arg2[%mul3A_2] : memref<16384xi32, #tpu.memory_space<hbm>> -> memref<512xi32, #tpu.memory_space<hbm>>
      %dma_wait3A_331 = arith.constant 0 : i32
      %dma_wait3A_332 = tpu.memref_slice %arg13[%dma_wait3A_331] : memref<1536xi32, #tpu.memory_space<vmem>> -> memref<512xi32, #tpu.memory_space<vmem>>
      %dma_wait3A_333 = tpu.memref_slice %arg2[%mul3A_2] : memref<16384xi32, #tpu.memory_space<hbm>> -> memref<512xi32, #tpu.memory_space<hbm>>
      tpu.wait_dma2 semaphore(%run_scoped3A : memref<!tpu.dma_semaphore, #tpu.memory_space<semaphore_mem>>) src(%dma_wait3A_333 : memref<512xi32, #tpu.memory_space<hbm>>) dst(%dma_wait3A_332 : memref<512xi32, #tpu.memory_space<vmem>>)
      tpu.yield
    }) : () -> ()
    "tpu.region"() ({
      %run_scoped3A = tpu.sem_alloc : memref<!tpu.dma_semaphore, #tpu.memory_space<semaphore_mem>>
      %dma_start3A_322 = arith.constant 512 : i32
      %dma_start3A_323 = tpu.memref_slice %arg13[%dma_start3A_322] : memref<1536xi32, #tpu.memory_space<vmem>> -> memref<512xi32, #tpu.memory_space<vmem>>
      %dma_start3A_324 = tpu.memref_slice %arg3[%mul3A_2] : memref<16384xi32, #tpu.memory_space<hbm>> -> memref<512xi32, #tpu.memory_space<hbm>>
      %dma_start3A_325 = arith.constant 512 : i32
      %dma_start3A_326 = tpu.memref_slice %arg13[%dma_start3A_325] : memref<1536xi32, #tpu.memory_space<vmem>> -> memref<512xi32, #tpu.memory_space<vmem>>
      %dma_start3A_327 = tpu.memref_slice %arg3[%mul3A_2] : memref<16384xi32, #tpu.memory_space<hbm>> -> memref<512xi32, #tpu.memory_space<hbm>>
      tpu.enqueue_dma source(%dma_start3A_327 : memref<512xi32, #tpu.memory_space<hbm>>) target(%dma_start3A_326 : memref<512xi32, #tpu.memory_space<vmem>>) target_semaphore(%run_scoped3A : memref<!tpu.dma_semaphore, #tpu.memory_space<semaphore_mem>>)
      %dma_wait3A_328 = arith.constant 512 : i32
      %dma_wait3A_329 = tpu.memref_slice %arg13[%dma_wait3A_328] : memref<1536xi32, #tpu.memory_space<vmem>> -> memref<512xi32, #tpu.memory_space<vmem>>
      %dma_wait3A_330 = tpu.memref_slice %arg3[%mul3A_2] : memref<16384xi32, #tpu.memory_space<hbm>> -> memref<512xi32, #tpu.memory_space<hbm>>
      %dma_wait3A_331 = arith.constant 512 : i32
      %dma_wait3A_332 = tpu.memref_slice %arg13[%dma_wait3A_331] : memref<1536xi32, #tpu.memory_space<vmem>> -> memref<512xi32, #tpu.memory_space<vmem>>
      %dma_wait3A_333 = tpu.memref_slice %arg3[%mul3A_2] : memref<16384xi32, #tpu.memory_space<hbm>> -> memref<512xi32, #tpu.memory_space<hbm>>
      tpu.wait_dma2 semaphore(%run_scoped3A : memref<!tpu.dma_semaphore, #tpu.memory_space<semaphore_mem>>) src(%dma_wait3A_333 : memref<512xi32, #tpu.memory_space<hbm>>) dst(%dma_wait3A_332 : memref<512xi32, #tpu.memory_space<vmem>>)
      tpu.yield
    }) : () -> ()
    "tpu.region"() ({
      %run_scoped3A = tpu.sem_alloc : memref<!tpu.dma_semaphore, #tpu.memory_space<semaphore_mem>>
      %dma_start3A_322 = arith.constant 1024 : i32
      %dma_start3A_323 = tpu.memref_slice %arg13[%dma_start3A_322] : memref<1536xi32, #tpu.memory_space<vmem>> -> memref<512xi32, #tpu.memory_space<vmem>>
      %dma_start3A_324 = tpu.memref_slice %arg4[%mul3A_2] : memref<16384xi32, #tpu.memory_space<hbm>> -> memref<512xi32, #tpu.memory_space<hbm>>
      %dma_start3A_325 = arith.constant 1024 : i32
      %dma_start3A_326 = tpu.memref_slice %arg13[%dma_start3A_325] : memref<1536xi32, #tpu.memory_space<vmem>> -> memref<512xi32, #tpu.memory_space<vmem>>
      %dma_start3A_327 = tpu.memref_slice %arg4[%mul3A_2] : memref<16384xi32, #tpu.memory_space<hbm>> -> memref<512xi32, #tpu.memory_space<hbm>>
      tpu.enqueue_dma source(%dma_start3A_327 : memref<512xi32, #tpu.memory_space<hbm>>) target(%dma_start3A_326 : memref<512xi32, #tpu.memory_space<vmem>>) target_semaphore(%run_scoped3A : memref<!tpu.dma_semaphore, #tpu.memory_space<semaphore_mem>>)
      %dma_wait3A_328 = arith.constant 1024 : i32
      %dma_wait3A_329 = tpu.memref_slice %arg13[%dma_wait3A_328] : memref<1536xi32, #tpu.memory_space<vmem>> -> memref<512xi32, #tpu.memory_space<vmem>>
      %dma_wait3A_330 = tpu.memref_slice %arg4[%mul3A_2] : memref<16384xi32, #tpu.memory_space<hbm>> -> memref<512xi32, #tpu.memory_space<hbm>>
      %dma_wait3A_331 = arith.constant 1024 : i32
      %dma_wait3A_332 = tpu.memref_slice %arg13[%dma_wait3A_331] : memref<1536xi32, #tpu.memory_space<vmem>> -> memref<512xi32, #tpu.memory_space<vmem>>
      %dma_wait3A_333 = tpu.memref_slice %arg4[%mul3A_2] : memref<16384xi32, #tpu.memory_space<hbm>> -> memref<512xi32, #tpu.memory_space<hbm>>
      tpu.wait_dma2 semaphore(%run_scoped3A : memref<!tpu.dma_semaphore, #tpu.memory_space<semaphore_mem>>) src(%dma_wait3A_333 : memref<512xi32, #tpu.memory_space<hbm>>) dst(%dma_wait3A_332 : memref<512xi32, #tpu.memory_space<vmem>>)
      tpu.yield
    }) : () -> ()
    %dma_start3A = arith.constant 0 : i32
    %dma_start3A_3 = tpu.memref_slice %arg14[%dma_start3A] : memref<1536xf32, #tpu.memory_space<vmem>> -> memref<128xf32, #tpu.memory_space<vmem>>
    %dma_start3A_4 = arith.constant 0 : i32
    %dma_start3A_5 = tpu.memref_slice %arg13[%dma_start3A_4] : memref<1536xi32, #tpu.memory_space<vmem>> -> memref<128xi32, #tpu.memory_space<vmem>>
    %dma_start3A_6 = arith.constant 0 : i32
    %dma_start3A_7 = tpu.memref_slice %arg5[%dma_start3A_6] : memref<1000000xf32, #tpu.memory_space<hbm>> -> memref<1000000xf32, #tpu.memory_space<hbm>>
    tpu.enqueue_indirect_dma source(%dma_start3A_7 : memref<1000000xf32, #tpu.memory_space<hbm>>) target(%dma_start3A_3 : memref<128xf32, #tpu.memory_space<vmem>>) offsets(%dma_start3A_5 : memref<128xi32, #tpu.memory_space<vmem>>) semaphore(%arg18 : memref<!tpu.dma_semaphore, #tpu.memory_space<semaphore_mem>>)
    %dma_start3A_8 = arith.constant 0 : i32
    %dma_start3A_9 = tpu.memref_slice %arg15[%dma_start3A_8] : memref<1536xf32, #tpu.memory_space<vmem>> -> memref<128xf32, #tpu.memory_space<vmem>>
    %dma_start3A_10 = arith.constant 0 : i32
    %dma_start3A_11 = tpu.memref_slice %arg13[%dma_start3A_10] : memref<1536xi32, #tpu.memory_space<vmem>> -> memref<128xi32, #tpu.memory_space<vmem>>
    %dma_start3A_12 = arith.constant 0 : i32
    %dma_start3A_13 = tpu.memref_slice %arg8[%dma_start3A_12] : memref<1000000xf32, #tpu.memory_space<hbm>> -> memref<1000000xf32, #tpu.memory_space<hbm>>
    tpu.enqueue_indirect_dma source(%dma_start3A_13 : memref<1000000xf32, #tpu.memory_space<hbm>>) target(%dma_start3A_9 : memref<128xf32, #tpu.memory_space<vmem>>) offsets(%dma_start3A_11 : memref<128xi32, #tpu.memory_space<vmem>>) semaphore(%arg18 : memref<!tpu.dma_semaphore, #tpu.memory_space<semaphore_mem>>)
    %dma_start3A_14 = arith.constant 128 : i32
    %dma_start3A_15 = tpu.memref_slice %arg14[%dma_start3A_14] : memref<1536xf32, #tpu.memory_space<vmem>> -> memref<128xf32, #tpu.memory_space<vmem>>
    %dma_start3A_16 = arith.constant 128 : i32
    %dma_start3A_17 = tpu.memref_slice %arg13[%dma_start3A_16] : memref<1536xi32, #tpu.memory_space<vmem>> -> memref<128xi32, #tpu.memory_space<vmem>>
    %dma_start3A_18 = arith.constant 0 : i32
    %dma_start3A_19 = tpu.memref_slice %arg5[%dma_start3A_18] : memref<1000000xf32, #tpu.memory_space<hbm>> -> memref<1000000xf32, #tpu.memory_space<hbm>>
    tpu.enqueue_indirect_dma source(%dma_start3A_19 : memref<1000000xf32, #tpu.memory_space<hbm>>) target(%dma_start3A_15 : memref<128xf32, #tpu.memory_space<vmem>>) offsets(%dma_start3A_17 : memref<128xi32, #tpu.memory_space<vmem>>) semaphore(%arg18 : memref<!tpu.dma_semaphore, #tpu.memory_space<semaphore_mem>>)
    %dma_start3A_20 = arith.constant 128 : i32
    %dma_start3A_21 = tpu.memref_slice %arg15[%dma_start3A_20] : memref<1536xf32, #tpu.memory_space<vmem>> -> memref<128xf32, #tpu.memory_space<vmem>>
    %dma_start3A_22 = arith.constant 128 : i32
    %dma_start3A_23 = tpu.memref_slice %arg13[%dma_start3A_22] : memref<1536xi32, #tpu.memory_space<vmem>> -> memref<128xi32, #tpu.memory_space<vmem>>
    %dma_start3A_24 = arith.constant 0 : i32
    %dma_start3A_25 = tpu.memref_slice %arg8[%dma_start3A_24] : memref<1000000xf32, #tpu.memory_space<hbm>> -> memref<1000000xf32, #tpu.memory_space<hbm>>
    tpu.enqueue_indirect_dma source(%dma_start3A_25 : memref<1000000xf32, #tpu.memory_space<hbm>>) target(%dma_start3A_21 : memref<128xf32, #tpu.memory_space<vmem>>) offsets(%dma_start3A_23 : memref<128xi32, #tpu.memory_space<vmem>>) semaphore(%arg18 : memref<!tpu.dma_semaphore, #tpu.memory_space<semaphore_mem>>)
    %dma_start3A_26 = arith.constant 256 : i32
    %dma_start3A_27 = tpu.memref_slice %arg14[%dma_start3A_26] : memref<1536xf32, #tpu.memory_space<vmem>> -> memref<128xf32, #tpu.memory_space<vmem>>
    %dma_start3A_28 = arith.constant 256 : i32
    %dma_start3A_29 = tpu.memref_slice %arg13[%dma_start3A_28] : memref<1536xi32, #tpu.memory_space<vmem>> -> memref<128xi32, #tpu.memory_space<vmem>>
    %dma_start3A_30 = arith.constant 0 : i32
    %dma_start3A_31 = tpu.memref_slice %arg5[%dma_start3A_30] : memref<1000000xf32, #tpu.memory_space<hbm>> -> memref<1000000xf32, #tpu.memory_space<hbm>>
    tpu.enqueue_indirect_dma source(%dma_start3A_31 : memref<1000000xf32, #tpu.memory_space<hbm>>) target(%dma_start3A_27 : memref<128xf32, #tpu.memory_space<vmem>>) offsets(%dma_start3A_29 : memref<128xi32, #tpu.memory_space<vmem>>) semaphore(%arg18 : memref<!tpu.dma_semaphore, #tpu.memory_space<semaphore_mem>>)
    %dma_start3A_32 = arith.constant 256 : i32
    %dma_start3A_33 = tpu.memref_slice %arg15[%dma_start3A_32] : memref<1536xf32, #tpu.memory_space<vmem>> -> memref<128xf32, #tpu.memory_space<vmem>>
    %dma_start3A_34 = arith.constant 256 : i32
    %dma_start3A_35 = tpu.memref_slice %arg13[%dma_start3A_34] : memref<1536xi32, #tpu.memory_space<vmem>> -> memref<128xi32, #tpu.memory_space<vmem>>
    %dma_start3A_36 = arith.constant 0 : i32
    %dma_start3A_37 = tpu.memref_slice %arg8[%dma_start3A_36] : memref<1000000xf32, #tpu.memory_space<hbm>> -> memref<1000000xf32, #tpu.memory_space<hbm>>
    tpu.enqueue_indirect_dma source(%dma_start3A_37 : memref<1000000xf32, #tpu.memory_space<hbm>>) target(%dma_start3A_33 : memref<128xf32, #tpu.memory_space<vmem>>) offsets(%dma_start3A_35 : memref<128xi32, #tpu.memory_space<vmem>>) semaphore(%arg18 : memref<!tpu.dma_semaphore, #tpu.memory_space<semaphore_mem>>)
    %dma_start3A_38 = arith.constant 384 : i32
    %dma_start3A_39 = tpu.memref_slice %arg14[%dma_start3A_38] : memref<1536xf32, #tpu.memory_space<vmem>> -> memref<128xf32, #tpu.memory_space<vmem>>
    %dma_start3A_40 = arith.constant 384 : i32
    %dma_start3A_41 = tpu.memref_slice %arg13[%dma_start3A_40] : memref<1536xi32, #tpu.memory_space<vmem>> -> memref<128xi32, #tpu.memory_space<vmem>>
    %dma_start3A_42 = arith.constant 0 : i32
    %dma_start3A_43 = tpu.memref_slice %arg5[%dma_start3A_42] : memref<1000000xf32, #tpu.memory_space<hbm>> -> memref<1000000xf32, #tpu.memory_space<hbm>>
    tpu.enqueue_indirect_dma source(%dma_start3A_43 : memref<1000000xf32, #tpu.memory_space<hbm>>) target(%dma_start3A_39 : memref<128xf32, #tpu.memory_space<vmem>>) offsets(%dma_start3A_41 : memref<128xi32, #tpu.memory_space<vmem>>) semaphore(%arg18 : memref<!tpu.dma_semaphore, #tpu.memory_space<semaphore_mem>>)
    %dma_start3A_44 = arith.constant 384 : i32
    %dma_start3A_45 = tpu.memref_slice %arg15[%dma_start3A_44] : memref<1536xf32, #tpu.memory_space<vmem>> -> memref<128xf32, #tpu.memory_space<vmem>>
    %dma_start3A_46 = arith.constant 384 : i32
    %dma_start3A_47 = tpu.memref_slice %arg13[%dma_start3A_46] : memref<1536xi32, #tpu.memory_space<vmem>> -> memref<128xi32, #tpu.memory_space<vmem>>
    %dma_start3A_48 = arith.constant 0 : i32
    %dma_start3A_49 = tpu.memref_slice %arg8[%dma_start3A_48] : memref<1000000xf32, #tpu.memory_space<hbm>> -> memref<1000000xf32, #tpu.memory_space<hbm>>
    tpu.enqueue_indirect_dma source(%dma_start3A_49 : memref<1000000xf32, #tpu.memory_space<hbm>>) target(%dma_start3A_45 : memref<128xf32, #tpu.memory_space<vmem>>) offsets(%dma_start3A_47 : memref<128xi32, #tpu.memory_space<vmem>>) semaphore(%arg18 : memref<!tpu.dma_semaphore, #tpu.memory_space<semaphore_mem>>)
    %dma_start3A_50 = arith.constant 512 : i32
    %dma_start3A_51 = tpu.memref_slice %arg14[%dma_start3A_50] : memref<1536xf32, #tpu.memory_space<vmem>> -> memref<128xf32, #tpu.memory_space<vmem>>
    %dma_start3A_52 = arith.constant 512 : i32
    %dma_start3A_53 = tpu.memref_slice %arg13[%dma_start3A_52] : memref<1536xi32, #tpu.memory_space<vmem>> -> memref<128xi32, #tpu.memory_space<vmem>>
    %dma_start3A_54 = arith.constant 0 : i32
    %dma_start3A_55 = tpu.memref_slice %arg6[%dma_start3A_54] : memref<1000000xf32, #tpu.memory_space<hbm>> -> memref<1000000xf32, #tpu.memory_space<hbm>>
    tpu.enqueue_indirect_dma source(%dma_start3A_55 : memref<1000000xf32, #tpu.memory_space<hbm>>) target(%dma_start3A_51 : memref<128xf32, #tpu.memory_space<vmem>>) offsets(%dma_start3A_53 : memref<128xi32, #tpu.memory_space<vmem>>) semaphore(%arg18 : memref<!tpu.dma_semaphore, #tpu.memory_space<semaphore_mem>>)
    %dma_start3A_56 = arith.constant 512 : i32
    %dma_start3A_57 = tpu.memref_slice %arg15[%dma_start3A_56] : memref<1536xf32, #tpu.memory_space<vmem>> -> memref<128xf32, #tpu.memory_space<vmem>>
    %dma_start3A_58 = arith.constant 512 : i32
    %dma_start3A_59 = tpu.memref_slice %arg13[%dma_start3A_58] : memref<1536xi32, #tpu.memory_space<vmem>> -> memref<128xi32, #tpu.memory_space<vmem>>
    %dma_start3A_60 = arith.constant 0 : i32
    %dma_start3A_61 = tpu.memref_slice %arg9[%dma_start3A_60] : memref<1000000xf32, #tpu.memory_space<hbm>> -> memref<1000000xf32, #tpu.memory_space<hbm>>
    tpu.enqueue_indirect_dma source(%dma_start3A_61 : memref<1000000xf32, #tpu.memory_space<hbm>>) target(%dma_start3A_57 : memref<128xf32, #tpu.memory_space<vmem>>) offsets(%dma_start3A_59 : memref<128xi32, #tpu.memory_space<vmem>>) semaphore(%arg18 : memref<!tpu.dma_semaphore, #tpu.memory_space<semaphore_mem>>)
    %dma_start3A_62 = arith.constant 640 : i32
    %dma_start3A_63 = tpu.memref_slice %arg14[%dma_start3A_62] : memref<1536xf32, #tpu.memory_space<vmem>> -> memref<128xf32, #tpu.memory_space<vmem>>
    %dma_start3A_64 = arith.constant 640 : i32
    %dma_start3A_65 = tpu.memref_slice %arg13[%dma_start3A_64] : memref<1536xi32, #tpu.memory_space<vmem>> -> memref<128xi32, #tpu.memory_space<vmem>>
    %dma_start3A_66 = arith.constant 0 : i32
    %dma_start3A_67 = tpu.memref_slice %arg6[%dma_start3A_66] : memref<1000000xf32, #tpu.memory_space<hbm>> -> memref<1000000xf32, #tpu.memory_space<hbm>>
    tpu.enqueue_indirect_dma source(%dma_start3A_67 : memref<1000000xf32, #tpu.memory_space<hbm>>) target(%dma_start3A_63 : memref<128xf32, #tpu.memory_space<vmem>>) offsets(%dma_start3A_65 : memref<128xi32, #tpu.memory_space<vmem>>) semaphore(%arg18 : memref<!tpu.dma_semaphore, #tpu.memory_space<semaphore_mem>>)
    %dma_start3A_68 = arith.constant 640 : i32
    %dma_start3A_69 = tpu.memref_slice %arg15[%dma_start3A_68] : memref<1536xf32, #tpu.memory_space<vmem>> -> memref<128xf32, #tpu.memory_space<vmem>>
    %dma_start3A_70 = arith.constant 640 : i32
    %dma_start3A_71 = tpu.memref_slice %arg13[%dma_start3A_70] : memref<1536xi32, #tpu.memory_space<vmem>> -> memref<128xi32, #tpu.memory_space<vmem>>
    %dma_start3A_72 = arith.constant 0 : i32
    %dma_start3A_73 = tpu.memref_slice %arg9[%dma_start3A_72] : memref<1000000xf32, #tpu.memory_space<hbm>> -> memref<1000000xf32, #tpu.memory_space<hbm>>
    tpu.enqueue_indirect_dma source(%dma_start3A_73 : memref<1000000xf32, #tpu.memory_space<hbm>>) target(%dma_start3A_69 : memref<128xf32, #tpu.memory_space<vmem>>) offsets(%dma_start3A_71 : memref<128xi32, #tpu.memory_space<vmem>>) semaphore(%arg18 : memref<!tpu.dma_semaphore, #tpu.memory_space<semaphore_mem>>)
    %dma_start3A_74 = arith.constant 768 : i32
    %dma_start3A_75 = tpu.memref_slice %arg14[%dma_start3A_74] : memref<1536xf32, #tpu.memory_space<vmem>> -> memref<128xf32, #tpu.memory_space<vmem>>
    %dma_start3A_76 = arith.constant 768 : i32
    %dma_start3A_77 = tpu.memref_slice %arg13[%dma_start3A_76] : memref<1536xi32, #tpu.memory_space<vmem>> -> memref<128xi32, #tpu.memory_space<vmem>>
    %dma_start3A_78 = arith.constant 0 : i32
    %dma_start3A_79 = tpu.memref_slice %arg6[%dma_start3A_78] : memref<1000000xf32, #tpu.memory_space<hbm>> -> memref<1000000xf32, #tpu.memory_space<hbm>>
    tpu.enqueue_indirect_dma source(%dma_start3A_79 : memref<1000000xf32, #tpu.memory_space<hbm>>) target(%dma_start3A_75 : memref<128xf32, #tpu.memory_space<vmem>>) offsets(%dma_start3A_77 : memref<128xi32, #tpu.memory_space<vmem>>) semaphore(%arg18 : memref<!tpu.dma_semaphore, #tpu.memory_space<semaphore_mem>>)
    %dma_start3A_80 = arith.constant 768 : i32
    %dma_start3A_81 = tpu.memref_slice %arg15[%dma_start3A_80] : memref<1536xf32, #tpu.memory_space<vmem>> -> memref<128xf32, #tpu.memory_space<vmem>>
    %dma_start3A_82 = arith.constant 768 : i32
    %dma_start3A_83 = tpu.memref_slice %arg13[%dma_start3A_82] : memref<1536xi32, #tpu.memory_space<vmem>> -> memref<128xi32, #tpu.memory_space<vmem>>
    %dma_start3A_84 = arith.constant 0 : i32
    %dma_start3A_85 = tpu.memref_slice %arg9[%dma_start3A_84] : memref<1000000xf32, #tpu.memory_space<hbm>> -> memref<1000000xf32, #tpu.memory_space<hbm>>
    tpu.enqueue_indirect_dma source(%dma_start3A_85 : memref<1000000xf32, #tpu.memory_space<hbm>>) target(%dma_start3A_81 : memref<128xf32, #tpu.memory_space<vmem>>) offsets(%dma_start3A_83 : memref<128xi32, #tpu.memory_space<vmem>>) semaphore(%arg18 : memref<!tpu.dma_semaphore, #tpu.memory_space<semaphore_mem>>)
    %dma_start3A_86 = arith.constant 896 : i32
    %dma_start3A_87 = tpu.memref_slice %arg14[%dma_start3A_86] : memref<1536xf32, #tpu.memory_space<vmem>> -> memref<128xf32, #tpu.memory_space<vmem>>
    %dma_start3A_88 = arith.constant 896 : i32
    %dma_start3A_89 = tpu.memref_slice %arg13[%dma_start3A_88] : memref<1536xi32, #tpu.memory_space<vmem>> -> memref<128xi32, #tpu.memory_space<vmem>>
    %dma_start3A_90 = arith.constant 0 : i32
    %dma_start3A_91 = tpu.memref_slice %arg6[%dma_start3A_90] : memref<1000000xf32, #tpu.memory_space<hbm>> -> memref<1000000xf32, #tpu.memory_space<hbm>>
    tpu.enqueue_indirect_dma source(%dma_start3A_91 : memref<1000000xf32, #tpu.memory_space<hbm>>) target(%dma_start3A_87 : memref<128xf32, #tpu.memory_space<vmem>>) offsets(%dma_start3A_89 : memref<128xi32, #tpu.memory_space<vmem>>) semaphore(%arg18 : memref<!tpu.dma_semaphore, #tpu.memory_space<semaphore_mem>>)
    %dma_start3A_92 = arith.constant 896 : i32
    %dma_start3A_93 = tpu.memref_slice %arg15[%dma_start3A_92] : memref<1536xf32, #tpu.memory_space<vmem>> -> memref<128xf32, #tpu.memory_space<vmem>>
    %dma_start3A_94 = arith.constant 896 : i32
    %dma_start3A_95 = tpu.memref_slice %arg13[%dma_start3A_94] : memref<1536xi32, #tpu.memory_space<vmem>> -> memref<128xi32, #tpu.memory_space<vmem>>
    %dma_start3A_96 = arith.constant 0 : i32
    %dma_start3A_97 = tpu.memref_slice %arg9[%dma_start3A_96] : memref<1000000xf32, #tpu.memory_space<hbm>> -> memref<1000000xf32, #tpu.memory_space<hbm>>
    tpu.enqueue_indirect_dma source(%dma_start3A_97 : memref<1000000xf32, #tpu.memory_space<hbm>>) target(%dma_start3A_93 : memref<128xf32, #tpu.memory_space<vmem>>) offsets(%dma_start3A_95 : memref<128xi32, #tpu.memory_space<vmem>>) semaphore(%arg18 : memref<!tpu.dma_semaphore, #tpu.memory_space<semaphore_mem>>)
    %dma_start3A_98 = arith.constant 1024 : i32
    %dma_start3A_99 = tpu.memref_slice %arg14[%dma_start3A_98] : memref<1536xf32, #tpu.memory_space<vmem>> -> memref<128xf32, #tpu.memory_space<vmem>>
    %dma_start3A_100 = arith.constant 1024 : i32
    %dma_start3A_101 = tpu.memref_slice %arg13[%dma_start3A_100] : memref<1536xi32, #tpu.memory_space<vmem>> -> memref<128xi32, #tpu.memory_space<vmem>>
    %dma_start3A_102 = arith.constant 0 : i32
    %dma_start3A_103 = tpu.memref_slice %arg7[%dma_start3A_102] : memref<1000000xf32, #tpu.memory_space<hbm>> -> memref<1000000xf32, #tpu.memory_space<hbm>>
    tpu.enqueue_indirect_dma source(%dma_start3A_103 : memref<1000000xf32, #tpu.memory_space<hbm>>) target(%dma_start3A_99 : memref<128xf32, #tpu.memory_space<vmem>>) offsets(%dma_start3A_101 : memref<128xi32, #tpu.memory_space<vmem>>) semaphore(%arg18 : memref<!tpu.dma_semaphore, #tpu.memory_space<semaphore_mem>>)
    %dma_start3A_104 = arith.constant 1024 : i32
    %dma_start3A_105 = tpu.memref_slice %arg15[%dma_start3A_104] : memref<1536xf32, #tpu.memory_space<vmem>> -> memref<128xf32, #tpu.memory_space<vmem>>
    %dma_start3A_106 = arith.constant 1024 : i32
    %dma_start3A_107 = tpu.memref_slice %arg13[%dma_start3A_106] : memref<1536xi32, #tpu.memory_space<vmem>> -> memref<128xi32, #tpu.memory_space<vmem>>
    %dma_start3A_108 = arith.constant 0 : i32
    %dma_start3A_109 = tpu.memref_slice %arg10[%dma_start3A_108] : memref<1000000xf32, #tpu.memory_space<hbm>> -> memref<1000000xf32, #tpu.memory_space<hbm>>
    tpu.enqueue_indirect_dma source(%dma_start3A_109 : memref<1000000xf32, #tpu.memory_space<hbm>>) target(%dma_start3A_105 : memref<128xf32, #tpu.memory_space<vmem>>) offsets(%dma_start3A_107 : memref<128xi32, #tpu.memory_space<vmem>>) semaphore(%arg18 : memref<!tpu.dma_semaphore, #tpu.memory_space<semaphore_mem>>)
    %dma_start3A_110 = arith.constant 1152 : i32
    %dma_start3A_111 = tpu.memref_slice %arg14[%dma_start3A_110] : memref<1536xf32, #tpu.memory_space<vmem>> -> memref<128xf32, #tpu.memory_space<vmem>>
    %dma_start3A_112 = arith.constant 1152 : i32
    %dma_start3A_113 = tpu.memref_slice %arg13[%dma_start3A_112] : memref<1536xi32, #tpu.memory_space<vmem>> -> memref<128xi32, #tpu.memory_space<vmem>>
    %dma_start3A_114 = arith.constant 0 : i32
    %dma_start3A_115 = tpu.memref_slice %arg7[%dma_start3A_114] : memref<1000000xf32, #tpu.memory_space<hbm>> -> memref<1000000xf32, #tpu.memory_space<hbm>>
    tpu.enqueue_indirect_dma source(%dma_start3A_115 : memref<1000000xf32, #tpu.memory_space<hbm>>) target(%dma_start3A_111 : memref<128xf32, #tpu.memory_space<vmem>>) offsets(%dma_start3A_113 : memref<128xi32, #tpu.memory_space<vmem>>) semaphore(%arg18 : memref<!tpu.dma_semaphore, #tpu.memory_space<semaphore_mem>>)
    %dma_start3A_116 = arith.constant 1152 : i32
    %dma_start3A_117 = tpu.memref_slice %arg15[%dma_start3A_116] : memref<1536xf32, #tpu.memory_space<vmem>> -> memref<128xf32, #tpu.memory_space<vmem>>
    %dma_start3A_118 = arith.constant 1152 : i32
    %dma_start3A_119 = tpu.memref_slice %arg13[%dma_start3A_118] : memref<1536xi32, #tpu.memory_space<vmem>> -> memref<128xi32, #tpu.memory_space<vmem>>
    %dma_start3A_120 = arith.constant 0 : i32
    %dma_start3A_121 = tpu.memref_slice %arg10[%dma_start3A_120] : memref<1000000xf32, #tpu.memory_space<hbm>> -> memref<1000000xf32, #tpu.memory_space<hbm>>
    tpu.enqueue_indirect_dma source(%dma_start3A_121 : memref<1000000xf32, #tpu.memory_space<hbm>>) target(%dma_start3A_117 : memref<128xf32, #tpu.memory_space<vmem>>) offsets(%dma_start3A_119 : memref<128xi32, #tpu.memory_space<vmem>>) semaphore(%arg18 : memref<!tpu.dma_semaphore, #tpu.memory_space<semaphore_mem>>)
    %dma_start3A_122 = arith.constant 1280 : i32
    %dma_start3A_123 = tpu.memref_slice %arg14[%dma_start3A_122] : memref<1536xf32, #tpu.memory_space<vmem>> -> memref<128xf32, #tpu.memory_space<vmem>>
    %dma_start3A_124 = arith.constant 1280 : i32
    %dma_start3A_125 = tpu.memref_slice %arg13[%dma_start3A_124] : memref<1536xi32, #tpu.memory_space<vmem>> -> memref<128xi32, #tpu.memory_space<vmem>>
    %dma_start3A_126 = arith.constant 0 : i32
    %dma_start3A_127 = tpu.memref_slice %arg7[%dma_start3A_126] : memref<1000000xf32, #tpu.memory_space<hbm>> -> memref<1000000xf32, #tpu.memory_space<hbm>>
    tpu.enqueue_indirect_dma source(%dma_start3A_127 : memref<1000000xf32, #tpu.memory_space<hbm>>) target(%dma_start3A_123 : memref<128xf32, #tpu.memory_space<vmem>>) offsets(%dma_start3A_125 : memref<128xi32, #tpu.memory_space<vmem>>) semaphore(%arg18 : memref<!tpu.dma_semaphore, #tpu.memory_space<semaphore_mem>>)
    %dma_start3A_128 = arith.constant 1280 : i32
    %dma_start3A_129 = tpu.memref_slice %arg15[%dma_start3A_128] : memref<1536xf32, #tpu.memory_space<vmem>> -> memref<128xf32, #tpu.memory_space<vmem>>
    %dma_start3A_130 = arith.constant 1280 : i32
    %dma_start3A_131 = tpu.memref_slice %arg13[%dma_start3A_130] : memref<1536xi32, #tpu.memory_space<vmem>> -> memref<128xi32, #tpu.memory_space<vmem>>
    %dma_start3A_132 = arith.constant 0 : i32
    %dma_start3A_133 = tpu.memref_slice %arg10[%dma_start3A_132] : memref<1000000xf32, #tpu.memory_space<hbm>> -> memref<1000000xf32, #tpu.memory_space<hbm>>
    tpu.enqueue_indirect_dma source(%dma_start3A_133 : memref<1000000xf32, #tpu.memory_space<hbm>>) target(%dma_start3A_129 : memref<128xf32, #tpu.memory_space<vmem>>) offsets(%dma_start3A_131 : memref<128xi32, #tpu.memory_space<vmem>>) semaphore(%arg18 : memref<!tpu.dma_semaphore, #tpu.memory_space<semaphore_mem>>)
    %dma_start3A_134 = arith.constant 1408 : i32
    %dma_start3A_135 = tpu.memref_slice %arg14[%dma_start3A_134] : memref<1536xf32, #tpu.memory_space<vmem>> -> memref<128xf32, #tpu.memory_space<vmem>>
    %dma_start3A_136 = arith.constant 1408 : i32
    %dma_start3A_137 = tpu.memref_slice %arg13[%dma_start3A_136] : memref<1536xi32, #tpu.memory_space<vmem>> -> memref<128xi32, #tpu.memory_space<vmem>>
    %dma_start3A_138 = arith.constant 0 : i32
    %dma_start3A_139 = tpu.memref_slice %arg7[%dma_start3A_138] : memref<1000000xf32, #tpu.memory_space<hbm>> -> memref<1000000xf32, #tpu.memory_space<hbm>>
    tpu.enqueue_indirect_dma source(%dma_start3A_139 : memref<1000000xf32, #tpu.memory_space<hbm>>) target(%dma_start3A_135 : memref<128xf32, #tpu.memory_space<vmem>>) offsets(%dma_start3A_137 : memref<128xi32, #tpu.memory_space<vmem>>) semaphore(%arg18 : memref<!tpu.dma_semaphore, #tpu.memory_space<semaphore_mem>>)
    %dma_start3A_140 = arith.constant 1408 : i32
    %dma_start3A_141 = tpu.memref_slice %arg15[%dma_start3A_140] : memref<1536xf32, #tpu.memory_space<vmem>> -> memref<128xf32, #tpu.memory_space<vmem>>
    %dma_start3A_142 = arith.constant 1408 : i32
    %dma_start3A_143 = tpu.memref_slice %arg13[%dma_start3A_142] : memref<1536xi32, #tpu.memory_space<vmem>> -> memref<128xi32, #tpu.memory_space<vmem>>
    %dma_start3A_144 = arith.constant 0 : i32
    %dma_start3A_145 = tpu.memref_slice %arg10[%dma_start3A_144] : memref<1000000xf32, #tpu.memory_space<hbm>> -> memref<1000000xf32, #tpu.memory_space<hbm>>
    tpu.enqueue_indirect_dma source(%dma_start3A_145 : memref<1000000xf32, #tpu.memory_space<hbm>>) target(%dma_start3A_141 : memref<128xf32, #tpu.memory_space<vmem>>) offsets(%dma_start3A_143 : memref<128xi32, #tpu.memory_space<vmem>>) semaphore(%arg18 : memref<!tpu.dma_semaphore, #tpu.memory_space<semaphore_mem>>)
    %dma_wait3A = arith.constant 0 : i32
    %dma_wait3A_146 = tpu.memref_slice %arg14[%dma_wait3A] : memref<1536xf32, #tpu.memory_space<vmem>> -> memref<128xf32, #tpu.memory_space<vmem>>
    %dma_wait3A_147 = arith.constant 0 : i32
    %dma_wait3A_148 = tpu.memref_slice %arg13[%dma_wait3A_147] : memref<1536xi32, #tpu.memory_space<vmem>> -> memref<128xi32, #tpu.memory_space<vmem>>
    %dma_wait3A_149 = arith.constant 0 : i32
    %dma_wait3A_150 = tpu.memref_slice %arg5[%dma_wait3A_149] : memref<1000000xf32, #tpu.memory_space<hbm>> -> memref<1000000xf32, #tpu.memory_space<hbm>>
    tpu.wait_indirect_dma semaphore(%arg18 : memref<!tpu.dma_semaphore, #tpu.memory_space<semaphore_mem>>) src(%dma_wait3A_150 : memref<1000000xf32, #tpu.memory_space<hbm>>) dst(%dma_wait3A_146 : memref<128xf32, #tpu.memory_space<vmem>>)
    %dma_wait3A_151 = arith.constant 0 : i32
    %dma_wait3A_152 = tpu.memref_slice %arg15[%dma_wait3A_151] : memref<1536xf32, #tpu.memory_space<vmem>> -> memref<128xf32, #tpu.memory_space<vmem>>
    %dma_wait3A_153 = arith.constant 0 : i32
    %dma_wait3A_154 = tpu.memref_slice %arg13[%dma_wait3A_153] : memref<1536xi32, #tpu.memory_space<vmem>> -> memref<128xi32, #tpu.memory_space<vmem>>
    %dma_wait3A_155 = arith.constant 0 : i32
    %dma_wait3A_156 = tpu.memref_slice %arg8[%dma_wait3A_155] : memref<1000000xf32, #tpu.memory_space<hbm>> -> memref<1000000xf32, #tpu.memory_space<hbm>>
    tpu.wait_indirect_dma semaphore(%arg18 : memref<!tpu.dma_semaphore, #tpu.memory_space<semaphore_mem>>) src(%dma_wait3A_156 : memref<1000000xf32, #tpu.memory_space<hbm>>) dst(%dma_wait3A_152 : memref<128xf32, #tpu.memory_space<vmem>>)
    %dma_wait3A_157 = arith.constant 128 : i32
    %dma_wait3A_158 = tpu.memref_slice %arg14[%dma_wait3A_157] : memref<1536xf32, #tpu.memory_space<vmem>> -> memref<128xf32, #tpu.memory_space<vmem>>
    %dma_wait3A_159 = arith.constant 128 : i32
    %dma_wait3A_160 = tpu.memref_slice %arg13[%dma_wait3A_159] : memref<1536xi32, #tpu.memory_space<vmem>> -> memref<128xi32, #tpu.memory_space<vmem>>
    %dma_wait3A_161 = arith.constant 0 : i32
    %dma_wait3A_162 = tpu.memref_slice %arg5[%dma_wait3A_161] : memref<1000000xf32, #tpu.memory_space<hbm>> -> memref<1000000xf32, #tpu.memory_space<hbm>>
    tpu.wait_indirect_dma semaphore(%arg18 : memref<!tpu.dma_semaphore, #tpu.memory_space<semaphore_mem>>) src(%dma_wait3A_162 : memref<1000000xf32, #tpu.memory_space<hbm>>) dst(%dma_wait3A_158 : memref<128xf32, #tpu.memory_space<vmem>>)
    %dma_wait3A_163 = arith.constant 128 : i32
    %dma_wait3A_164 = tpu.memref_slice %arg15[%dma_wait3A_163] : memref<1536xf32, #tpu.memory_space<vmem>> -> memref<128xf32, #tpu.memory_space<vmem>>
    %dma_wait3A_165 = arith.constant 128 : i32
    %dma_wait3A_166 = tpu.memref_slice %arg13[%dma_wait3A_165] : memref<1536xi32, #tpu.memory_space<vmem>> -> memref<128xi32, #tpu.memory_space<vmem>>
    %dma_wait3A_167 = arith.constant 0 : i32
    %dma_wait3A_168 = tpu.memref_slice %arg8[%dma_wait3A_167] : memref<1000000xf32, #tpu.memory_space<hbm>> -> memref<1000000xf32, #tpu.memory_space<hbm>>
    tpu.wait_indirect_dma semaphore(%arg18 : memref<!tpu.dma_semaphore, #tpu.memory_space<semaphore_mem>>) src(%dma_wait3A_168 : memref<1000000xf32, #tpu.memory_space<hbm>>) dst(%dma_wait3A_164 : memref<128xf32, #tpu.memory_space<vmem>>)
    %dma_wait3A_169 = arith.constant 256 : i32
    %dma_wait3A_170 = tpu.memref_slice %arg14[%dma_wait3A_169] : memref<1536xf32, #tpu.memory_space<vmem>> -> memref<128xf32, #tpu.memory_space<vmem>>
    %dma_wait3A_171 = arith.constant 256 : i32
    %dma_wait3A_172 = tpu.memref_slice %arg13[%dma_wait3A_171] : memref<1536xi32, #tpu.memory_space<vmem>> -> memref<128xi32, #tpu.memory_space<vmem>>
    %dma_wait3A_173 = arith.constant 0 : i32
    %dma_wait3A_174 = tpu.memref_slice %arg5[%dma_wait3A_173] : memref<1000000xf32, #tpu.memory_space<hbm>> -> memref<1000000xf32, #tpu.memory_space<hbm>>
    tpu.wait_indirect_dma semaphore(%arg18 : memref<!tpu.dma_semaphore, #tpu.memory_space<semaphore_mem>>) src(%dma_wait3A_174 : memref<1000000xf32, #tpu.memory_space<hbm>>) dst(%dma_wait3A_170 : memref<128xf32, #tpu.memory_space<vmem>>)
    %dma_wait3A_175 = arith.constant 256 : i32
    %dma_wait3A_176 = tpu.memref_slice %arg15[%dma_wait3A_175] : memref<1536xf32, #tpu.memory_space<vmem>> -> memref<128xf32, #tpu.memory_space<vmem>>
    %dma_wait3A_177 = arith.constant 256 : i32
    %dma_wait3A_178 = tpu.memref_slice %arg13[%dma_wait3A_177] : memref<1536xi32, #tpu.memory_space<vmem>> -> memref<128xi32, #tpu.memory_space<vmem>>
    %dma_wait3A_179 = arith.constant 0 : i32
    %dma_wait3A_180 = tpu.memref_slice %arg8[%dma_wait3A_179] : memref<1000000xf32, #tpu.memory_space<hbm>> -> memref<1000000xf32, #tpu.memory_space<hbm>>
    tpu.wait_indirect_dma semaphore(%arg18 : memref<!tpu.dma_semaphore, #tpu.memory_space<semaphore_mem>>) src(%dma_wait3A_180 : memref<1000000xf32, #tpu.memory_space<hbm>>) dst(%dma_wait3A_176 : memref<128xf32, #tpu.memory_space<vmem>>)
    %dma_wait3A_181 = arith.constant 384 : i32
    %dma_wait3A_182 = tpu.memref_slice %arg14[%dma_wait3A_181] : memref<1536xf32, #tpu.memory_space<vmem>> -> memref<128xf32, #tpu.memory_space<vmem>>
    %dma_wait3A_183 = arith.constant 384 : i32
    %dma_wait3A_184 = tpu.memref_slice %arg13[%dma_wait3A_183] : memref<1536xi32, #tpu.memory_space<vmem>> -> memref<128xi32, #tpu.memory_space<vmem>>
    %dma_wait3A_185 = arith.constant 0 : i32
    %dma_wait3A_186 = tpu.memref_slice %arg5[%dma_wait3A_185] : memref<1000000xf32, #tpu.memory_space<hbm>> -> memref<1000000xf32, #tpu.memory_space<hbm>>
    tpu.wait_indirect_dma semaphore(%arg18 : memref<!tpu.dma_semaphore, #tpu.memory_space<semaphore_mem>>) src(%dma_wait3A_186 : memref<1000000xf32, #tpu.memory_space<hbm>>) dst(%dma_wait3A_182 : memref<128xf32, #tpu.memory_space<vmem>>)
    %dma_wait3A_187 = arith.constant 384 : i32
    %dma_wait3A_188 = tpu.memref_slice %arg15[%dma_wait3A_187] : memref<1536xf32, #tpu.memory_space<vmem>> -> memref<128xf32, #tpu.memory_space<vmem>>
    %dma_wait3A_189 = arith.constant 384 : i32
    %dma_wait3A_190 = tpu.memref_slice %arg13[%dma_wait3A_189] : memref<1536xi32, #tpu.memory_space<vmem>> -> memref<128xi32, #tpu.memory_space<vmem>>
    %dma_wait3A_191 = arith.constant 0 : i32
    %dma_wait3A_192 = tpu.memref_slice %arg8[%dma_wait3A_191] : memref<1000000xf32, #tpu.memory_space<hbm>> -> memref<1000000xf32, #tpu.memory_space<hbm>>
    tpu.wait_indirect_dma semaphore(%arg18 : memref<!tpu.dma_semaphore, #tpu.memory_space<semaphore_mem>>) src(%dma_wait3A_192 : memref<1000000xf32, #tpu.memory_space<hbm>>) dst(%dma_wait3A_188 : memref<128xf32, #tpu.memory_space<vmem>>)
    %dma_wait3A_193 = arith.constant 512 : i32
    %dma_wait3A_194 = tpu.memref_slice %arg14[%dma_wait3A_193] : memref<1536xf32, #tpu.memory_space<vmem>> -> memref<128xf32, #tpu.memory_space<vmem>>
    %dma_wait3A_195 = arith.constant 512 : i32
    %dma_wait3A_196 = tpu.memref_slice %arg13[%dma_wait3A_195] : memref<1536xi32, #tpu.memory_space<vmem>> -> memref<128xi32, #tpu.memory_space<vmem>>
    %dma_wait3A_197 = arith.constant 0 : i32
    %dma_wait3A_198 = tpu.memref_slice %arg6[%dma_wait3A_197] : memref<1000000xf32, #tpu.memory_space<hbm>> -> memref<1000000xf32, #tpu.memory_space<hbm>>
    tpu.wait_indirect_dma semaphore(%arg18 : memref<!tpu.dma_semaphore, #tpu.memory_space<semaphore_mem>>) src(%dma_wait3A_198 : memref<1000000xf32, #tpu.memory_space<hbm>>) dst(%dma_wait3A_194 : memref<128xf32, #tpu.memory_space<vmem>>)
    %dma_wait3A_199 = arith.constant 512 : i32
    %dma_wait3A_200 = tpu.memref_slice %arg15[%dma_wait3A_199] : memref<1536xf32, #tpu.memory_space<vmem>> -> memref<128xf32, #tpu.memory_space<vmem>>
    %dma_wait3A_201 = arith.constant 512 : i32
    %dma_wait3A_202 = tpu.memref_slice %arg13[%dma_wait3A_201] : memref<1536xi32, #tpu.memory_space<vmem>> -> memref<128xi32, #tpu.memory_space<vmem>>
    %dma_wait3A_203 = arith.constant 0 : i32
    %dma_wait3A_204 = tpu.memref_slice %arg9[%dma_wait3A_203] : memref<1000000xf32, #tpu.memory_space<hbm>> -> memref<1000000xf32, #tpu.memory_space<hbm>>
    tpu.wait_indirect_dma semaphore(%arg18 : memref<!tpu.dma_semaphore, #tpu.memory_space<semaphore_mem>>) src(%dma_wait3A_204 : memref<1000000xf32, #tpu.memory_space<hbm>>) dst(%dma_wait3A_200 : memref<128xf32, #tpu.memory_space<vmem>>)
    %dma_wait3A_205 = arith.constant 640 : i32
    %dma_wait3A_206 = tpu.memref_slice %arg14[%dma_wait3A_205] : memref<1536xf32, #tpu.memory_space<vmem>> -> memref<128xf32, #tpu.memory_space<vmem>>
    %dma_wait3A_207 = arith.constant 640 : i32
    %dma_wait3A_208 = tpu.memref_slice %arg13[%dma_wait3A_207] : memref<1536xi32, #tpu.memory_space<vmem>> -> memref<128xi32, #tpu.memory_space<vmem>>
    %dma_wait3A_209 = arith.constant 0 : i32
    %dma_wait3A_210 = tpu.memref_slice %arg6[%dma_wait3A_209] : memref<1000000xf32, #tpu.memory_space<hbm>> -> memref<1000000xf32, #tpu.memory_space<hbm>>
    tpu.wait_indirect_dma semaphore(%arg18 : memref<!tpu.dma_semaphore, #tpu.memory_space<semaphore_mem>>) src(%dma_wait3A_210 : memref<1000000xf32, #tpu.memory_space<hbm>>) dst(%dma_wait3A_206 : memref<128xf32, #tpu.memory_space<vmem>>)
    %dma_wait3A_211 = arith.constant 640 : i32
    %dma_wait3A_212 = tpu.memref_slice %arg15[%dma_wait3A_211] : memref<1536xf32, #tpu.memory_space<vmem>> -> memref<128xf32, #tpu.memory_space<vmem>>
    %dma_wait3A_213 = arith.constant 640 : i32
    %dma_wait3A_214 = tpu.memref_slice %arg13[%dma_wait3A_213] : memref<1536xi32, #tpu.memory_space<vmem>> -> memref<128xi32, #tpu.memory_space<vmem>>
    %dma_wait3A_215 = arith.constant 0 : i32
    %dma_wait3A_216 = tpu.memref_slice %arg9[%dma_wait3A_215] : memref<1000000xf32, #tpu.memory_space<hbm>> -> memref<1000000xf32, #tpu.memory_space<hbm>>
    tpu.wait_indirect_dma semaphore(%arg18 : memref<!tpu.dma_semaphore, #tpu.memory_space<semaphore_mem>>) src(%dma_wait3A_216 : memref<1000000xf32, #tpu.memory_space<hbm>>) dst(%dma_wait3A_212 : memref<128xf32, #tpu.memory_space<vmem>>)
    %dma_wait3A_217 = arith.constant 768 : i32
    %dma_wait3A_218 = tpu.memref_slice %arg14[%dma_wait3A_217] : memref<1536xf32, #tpu.memory_space<vmem>> -> memref<128xf32, #tpu.memory_space<vmem>>
    %dma_wait3A_219 = arith.constant 768 : i32
    %dma_wait3A_220 = tpu.memref_slice %arg13[%dma_wait3A_219] : memref<1536xi32, #tpu.memory_space<vmem>> -> memref<128xi32, #tpu.memory_space<vmem>>
    %dma_wait3A_221 = arith.constant 0 : i32
    %dma_wait3A_222 = tpu.memref_slice %arg6[%dma_wait3A_221] : memref<1000000xf32, #tpu.memory_space<hbm>> -> memref<1000000xf32, #tpu.memory_space<hbm>>
    tpu.wait_indirect_dma semaphore(%arg18 : memref<!tpu.dma_semaphore, #tpu.memory_space<semaphore_mem>>) src(%dma_wait3A_222 : memref<1000000xf32, #tpu.memory_space<hbm>>) dst(%dma_wait3A_218 : memref<128xf32, #tpu.memory_space<vmem>>)
    %dma_wait3A_223 = arith.constant 768 : i32
    %dma_wait3A_224 = tpu.memref_slice %arg15[%dma_wait3A_223] : memref<1536xf32, #tpu.memory_space<vmem>> -> memref<128xf32, #tpu.memory_space<vmem>>
    %dma_wait3A_225 = arith.constant 768 : i32
    %dma_wait3A_226 = tpu.memref_slice %arg13[%dma_wait3A_225] : memref<1536xi32, #tpu.memory_space<vmem>> -> memref<128xi32, #tpu.memory_space<vmem>>
    %dma_wait3A_227 = arith.constant 0 : i32
    %dma_wait3A_228 = tpu.memref_slice %arg9[%dma_wait3A_227] : memref<1000000xf32, #tpu.memory_space<hbm>> -> memref<1000000xf32, #tpu.memory_space<hbm>>
    tpu.wait_indirect_dma semaphore(%arg18 : memref<!tpu.dma_semaphore, #tpu.memory_space<semaphore_mem>>) src(%dma_wait3A_228 : memref<1000000xf32, #tpu.memory_space<hbm>>) dst(%dma_wait3A_224 : memref<128xf32, #tpu.memory_space<vmem>>)
    %dma_wait3A_229 = arith.constant 896 : i32
    %dma_wait3A_230 = tpu.memref_slice %arg14[%dma_wait3A_229] : memref<1536xf32, #tpu.memory_space<vmem>> -> memref<128xf32, #tpu.memory_space<vmem>>
    %dma_wait3A_231 = arith.constant 896 : i32
    %dma_wait3A_232 = tpu.memref_slice %arg13[%dma_wait3A_231] : memref<1536xi32, #tpu.memory_space<vmem>> -> memref<128xi32, #tpu.memory_space<vmem>>
    %dma_wait3A_233 = arith.constant 0 : i32
    %dma_wait3A_234 = tpu.memref_slice %arg6[%dma_wait3A_233] : memref<1000000xf32, #tpu.memory_space<hbm>> -> memref<1000000xf32, #tpu.memory_space<hbm>>
    tpu.wait_indirect_dma semaphore(%arg18 : memref<!tpu.dma_semaphore, #tpu.memory_space<semaphore_mem>>) src(%dma_wait3A_234 : memref<1000000xf32, #tpu.memory_space<hbm>>) dst(%dma_wait3A_230 : memref<128xf32, #tpu.memory_space<vmem>>)
    %dma_wait3A_235 = arith.constant 896 : i32
    %dma_wait3A_236 = tpu.memref_slice %arg15[%dma_wait3A_235] : memref<1536xf32, #tpu.memory_space<vmem>> -> memref<128xf32, #tpu.memory_space<vmem>>
    %dma_wait3A_237 = arith.constant 896 : i32
    %dma_wait3A_238 = tpu.memref_slice %arg13[%dma_wait3A_237] : memref<1536xi32, #tpu.memory_space<vmem>> -> memref<128xi32, #tpu.memory_space<vmem>>
    %dma_wait3A_239 = arith.constant 0 : i32
    %dma_wait3A_240 = tpu.memref_slice %arg9[%dma_wait3A_239] : memref<1000000xf32, #tpu.memory_space<hbm>> -> memref<1000000xf32, #tpu.memory_space<hbm>>
    tpu.wait_indirect_dma semaphore(%arg18 : memref<!tpu.dma_semaphore, #tpu.memory_space<semaphore_mem>>) src(%dma_wait3A_240 : memref<1000000xf32, #tpu.memory_space<hbm>>) dst(%dma_wait3A_236 : memref<128xf32, #tpu.memory_space<vmem>>)
    %dma_wait3A_241 = arith.constant 1024 : i32
    %dma_wait3A_242 = tpu.memref_slice %arg14[%dma_wait3A_241] : memref<1536xf32, #tpu.memory_space<vmem>> -> memref<128xf32, #tpu.memory_space<vmem>>
    %dma_wait3A_243 = arith.constant 1024 : i32
    %dma_wait3A_244 = tpu.memref_slice %arg13[%dma_wait3A_243] : memref<1536xi32, #tpu.memory_space<vmem>> -> memref<128xi32, #tpu.memory_space<vmem>>
    %dma_wait3A_245 = arith.constant 0 : i32
    %dma_wait3A_246 = tpu.memref_slice %arg7[%dma_wait3A_245] : memref<1000000xf32, #tpu.memory_space<hbm>> -> memref<1000000xf32, #tpu.memory_space<hbm>>
    tpu.wait_indirect_dma semaphore(%arg18 : memref<!tpu.dma_semaphore, #tpu.memory_space<semaphore_mem>>) src(%dma_wait3A_246 : memref<1000000xf32, #tpu.memory_space<hbm>>) dst(%dma_wait3A_242 : memref<128xf32, #tpu.memory_space<vmem>>)
    %dma_wait3A_247 = arith.constant 1024 : i32
    %dma_wait3A_248 = tpu.memref_slice %arg15[%dma_wait3A_247] : memref<1536xf32, #tpu.memory_space<vmem>> -> memref<128xf32, #tpu.memory_space<vmem>>
    %dma_wait3A_249 = arith.constant 1024 : i32
    %dma_wait3A_250 = tpu.memref_slice %arg13[%dma_wait3A_249] : memref<1536xi32, #tpu.memory_space<vmem>> -> memref<128xi32, #tpu.memory_space<vmem>>
    %dma_wait3A_251 = arith.constant 0 : i32
    %dma_wait3A_252 = tpu.memref_slice %arg10[%dma_wait3A_251] : memref<1000000xf32, #tpu.memory_space<hbm>> -> memref<1000000xf32, #tpu.memory_space<hbm>>
    tpu.wait_indirect_dma semaphore(%arg18 : memref<!tpu.dma_semaphore, #tpu.memory_space<semaphore_mem>>) src(%dma_wait3A_252 : memref<1000000xf32, #tpu.memory_space<hbm>>) dst(%dma_wait3A_248 : memref<128xf32, #tpu.memory_space<vmem>>)
    %dma_wait3A_253 = arith.constant 1152 : i32
    %dma_wait3A_254 = tpu.memref_slice %arg14[%dma_wait3A_253] : memref<1536xf32, #tpu.memory_space<vmem>> -> memref<128xf32, #tpu.memory_space<vmem>>
    %dma_wait3A_255 = arith.constant 1152 : i32
    %dma_wait3A_256 = tpu.memref_slice %arg13[%dma_wait3A_255] : memref<1536xi32, #tpu.memory_space<vmem>> -> memref<128xi32, #tpu.memory_space<vmem>>
    %dma_wait3A_257 = arith.constant 0 : i32
    %dma_wait3A_258 = tpu.memref_slice %arg7[%dma_wait3A_257] : memref<1000000xf32, #tpu.memory_space<hbm>> -> memref<1000000xf32, #tpu.memory_space<hbm>>
    tpu.wait_indirect_dma semaphore(%arg18 : memref<!tpu.dma_semaphore, #tpu.memory_space<semaphore_mem>>) src(%dma_wait3A_258 : memref<1000000xf32, #tpu.memory_space<hbm>>) dst(%dma_wait3A_254 : memref<128xf32, #tpu.memory_space<vmem>>)
    %dma_wait3A_259 = arith.constant 1152 : i32
    %dma_wait3A_260 = tpu.memref_slice %arg15[%dma_wait3A_259] : memref<1536xf32, #tpu.memory_space<vmem>> -> memref<128xf32, #tpu.memory_space<vmem>>
    %dma_wait3A_261 = arith.constant 1152 : i32
    %dma_wait3A_262 = tpu.memref_slice %arg13[%dma_wait3A_261] : memref<1536xi32, #tpu.memory_space<vmem>> -> memref<128xi32, #tpu.memory_space<vmem>>
    %dma_wait3A_263 = arith.constant 0 : i32
    %dma_wait3A_264 = tpu.memref_slice %arg10[%dma_wait3A_263] : memref<1000000xf32, #tpu.memory_space<hbm>> -> memref<1000000xf32, #tpu.memory_space<hbm>>
    tpu.wait_indirect_dma semaphore(%arg18 : memref<!tpu.dma_semaphore, #tpu.memory_space<semaphore_mem>>) src(%dma_wait3A_264 : memref<1000000xf32, #tpu.memory_space<hbm>>) dst(%dma_wait3A_260 : memref<128xf32, #tpu.memory_space<vmem>>)
    %dma_wait3A_265 = arith.constant 1280 : i32
    %dma_wait3A_266 = tpu.memref_slice %arg14[%dma_wait3A_265] : memref<1536xf32, #tpu.memory_space<vmem>> -> memref<128xf32, #tpu.memory_space<vmem>>
    %dma_wait3A_267 = arith.constant 1280 : i32
    %dma_wait3A_268 = tpu.memref_slice %arg13[%dma_wait3A_267] : memref<1536xi32, #tpu.memory_space<vmem>> -> memref<128xi32, #tpu.memory_space<vmem>>
    %dma_wait3A_269 = arith.constant 0 : i32
    %dma_wait3A_270 = tpu.memref_slice %arg7[%dma_wait3A_269] : memref<1000000xf32, #tpu.memory_space<hbm>> -> memref<1000000xf32, #tpu.memory_space<hbm>>
    tpu.wait_indirect_dma semaphore(%arg18 : memref<!tpu.dma_semaphore, #tpu.memory_space<semaphore_mem>>) src(%dma_wait3A_270 : memref<1000000xf32, #tpu.memory_space<hbm>>) dst(%dma_wait3A_266 : memref<128xf32, #tpu.memory_space<vmem>>)
    %dma_wait3A_271 = arith.constant 1280 : i32
    %dma_wait3A_272 = tpu.memref_slice %arg15[%dma_wait3A_271] : memref<1536xf32, #tpu.memory_space<vmem>> -> memref<128xf32, #tpu.memory_space<vmem>>
    %dma_wait3A_273 = arith.constant 1280 : i32
    %dma_wait3A_274 = tpu.memref_slice %arg13[%dma_wait3A_273] : memref<1536xi32, #tpu.memory_space<vmem>> -> memref<128xi32, #tpu.memory_space<vmem>>
    %dma_wait3A_275 = arith.constant 0 : i32
    %dma_wait3A_276 = tpu.memref_slice %arg10[%dma_wait3A_275] : memref<1000000xf32, #tpu.memory_space<hbm>> -> memref<1000000xf32, #tpu.memory_space<hbm>>
    tpu.wait_indirect_dma semaphore(%arg18 : memref<!tpu.dma_semaphore, #tpu.memory_space<semaphore_mem>>) src(%dma_wait3A_276 : memref<1000000xf32, #tpu.memory_space<hbm>>) dst(%dma_wait3A_272 : memref<128xf32, #tpu.memory_space<vmem>>)
    %dma_wait3A_277 = arith.constant 1408 : i32
    %dma_wait3A_278 = tpu.memref_slice %arg14[%dma_wait3A_277] : memref<1536xf32, #tpu.memory_space<vmem>> -> memref<128xf32, #tpu.memory_space<vmem>>
    %dma_wait3A_279 = arith.constant 1408 : i32
    %dma_wait3A_280 = tpu.memref_slice %arg13[%dma_wait3A_279] : memref<1536xi32, #tpu.memory_space<vmem>> -> memref<128xi32, #tpu.memory_space<vmem>>
    %dma_wait3A_281 = arith.constant 0 : i32
    %dma_wait3A_282 = tpu.memref_slice %arg7[%dma_wait3A_281] : memref<1000000xf32, #tpu.memory_space<hbm>> -> memref<1000000xf32, #tpu.memory_space<hbm>>
    tpu.wait_indirect_dma semaphore(%arg18 : memref<!tpu.dma_semaphore, #tpu.memory_space<semaphore_mem>>) src(%dma_wait3A_282 : memref<1000000xf32, #tpu.memory_space<hbm>>) dst(%dma_wait3A_278 : memref<128xf32, #tpu.memory_space<vmem>>)
    %dma_wait3A_283 = arith.constant 1408 : i32
    %dma_wait3A_284 = tpu.memref_slice %arg15[%dma_wait3A_283] : memref<1536xf32, #tpu.memory_space<vmem>> -> memref<128xf32, #tpu.memory_space<vmem>>
    %dma_wait3A_285 = arith.constant 1408 : i32
    %dma_wait3A_286 = tpu.memref_slice %arg13[%dma_wait3A_285] : memref<1536xi32, #tpu.memory_space<vmem>> -> memref<128xi32, #tpu.memory_space<vmem>>
    %dma_wait3A_287 = arith.constant 0 : i32
    %dma_wait3A_288 = tpu.memref_slice %arg10[%dma_wait3A_287] : memref<1000000xf32, #tpu.memory_space<hbm>> -> memref<1000000xf32, #tpu.memory_space<hbm>>
    tpu.wait_indirect_dma semaphore(%arg18 : memref<!tpu.dma_semaphore, #tpu.memory_space<semaphore_mem>>) src(%dma_wait3A_288 : memref<1000000xf32, #tpu.memory_space<hbm>>) dst(%dma_wait3A_284 : memref<128xf32, #tpu.memory_space<vmem>>)
    %broadcast_in_dim3A = arith.constant 0.000000e+00 : f32
    %broadcast_in_dim3A_289 = vector.broadcast %broadcast_in_dim3A : f32 to vector<16xf32>
    %scan3A = arith.constant 0 : i32
    %scan3A_290 = arith.constant 32 : i32
    %scan3A_291 = arith.addi %scan3A, %scan3A_290 : i32
    %scan3A_292 = arith.constant 1 : i32
    %scan3A_293 = scf.for %scan3A_322 = %scan3A to %scan3A_291 step %scan3A_292 iter_args(%scan3A_323 = %broadcast_in_dim3A_289) -> (vector<16xf32>)  : i32 {
      %mul3A_324 = arith.constant 16 : i32
      %mul3A_325 = arith.muli %scan3A_322, %mul3A_324 : i32
      %add3A_326 = arith.constant 0 : i32
      %add3A_327 = arith.addi %add3A_326, %mul3A_325 : i32
      %mul3A_328 = arith.constant 16 : i32
      %mul3A_329 = arith.muli %scan3A_322, %mul3A_328 : i32
      %get3A = arith.index_cast %add3A_327 : i32 to index
      %get3A_330 = tpu.vector_load %arg14[%get3A] {strides = array<i32>} : memref<1536xf32, #tpu.memory_space<vmem>>, vector<16xf32>,
      %get3A_331 = vector.shape_cast %get3A_330 : vector<16xf32> to vector<16xf32>
      %swap3A_332 = arith.index_cast %mul3A_329 : i32 to index
      %swap3A_333 = tpu.vector_load %arg16[%swap3A_332] {strides = array<i32>} : memref<512xf32, #tpu.memory_space<vmem>>, vector<16xf32>,
      %swap3A_334 = vector.shape_cast %swap3A_333 : vector<16xf32> to vector<16xf32>
      %swap3A_335 = vector.shape_cast %get3A_331 : vector<16xf32> to vector<16xf32>
      tpu.vector_store %arg16[%swap3A_332], %swap3A_335 {strides = array<i32>} : memref<512xf32, #tpu.memory_space<vmem>>, vector<16xf32>,
      %get3A_336 = arith.index_cast %add3A_327 : i32 to index
      %get3A_337 = tpu.vector_load %arg15[%get3A_336] {strides = array<i32>} : memref<1536xf32, #tpu.memory_space<vmem>>, vector<16xf32>,
      %get3A_338 = vector.shape_cast %get3A_337 : vector<16xf32> to vector<16xf32>
      %add3A_339 = arith.addf %scan3A_323, %get3A_338 : vector<16xf32>
      scf.yield %add3A_339 : vector<16xf32>
    }
    %scan3A_294 = arith.constant 32 : i32
    %swap3A = arith.constant 0 : index
    %swap3A_295 = tpu.vector_load %arg17[%swap3A] {strides = array<i32>} : memref<48xf32, #tpu.memory_space<vmem>>, vector<16xf32>,
    %swap3A_296 = vector.shape_cast %swap3A_295 : vector<16xf32> to vector<16xf32>
    %swap3A_297 = vector.shape_cast %scan3A_293 : vector<16xf32> to vector<16xf32>
    tpu.vector_store %arg17[%swap3A], %swap3A_297 {strides = array<i32>} : memref<48xf32, #tpu.memory_space<vmem>>, vector<16xf32>,
    %broadcast_in_dim3A_298 = arith.constant 0.000000e+00 : f32
    %broadcast_in_dim3A_299 = vector.broadcast %broadcast_in_dim3A_298 : f32 to vector<16xf32>
    %scan3A_300 = arith.constant 0 : i32
    %scan3A_301 = arith.constant 32 : i32
    %scan3A_302 = arith.addi %scan3A_300, %scan3A_301 : i32
    %scan3A_303 = arith.constant 1 : i32
    %scan3A_304 = scf.for %scan3A_322 = %scan3A_300 to %scan3A_302 step %scan3A_303 iter_args(%scan3A_323 = %broadcast_in_dim3A_299) -> (vector<16xf32>)  : i32 {
      %mul3A_324 = arith.constant 16 : i32
      %mul3A_325 = arith.muli %scan3A_322, %mul3A_324 : i32
      %add3A_326 = arith.constant 512 : i32
      %add3A_327 = arith.addi %add3A_326, %mul3A_325 : i32
      %mul3A_328 = arith.constant 16 : i32
      %mul3A_329 = arith.muli %scan3A_322, %mul3A_328 : i32
      %get3A = arith.index_cast %mul3A_329 : i32 to index
      %get3A_330 = tpu.vector_load %arg16[%get3A] {strides = array<i32>} : memref<512xf32, #tpu.memory_space<vmem>>, vector<16xf32>,
      %get3A_331 = vector.shape_cast %get3A_330 : vector<16xf32> to vector<16xf32>
      %get3A_332 = arith.index_cast %add3A_327 : i32 to index
      %get3A_333 = tpu.vector_load %arg14[%get3A_332] {strides = array<i32>} : memref<1536xf32, #tpu.memory_space<vmem>>, vector<16xf32>,
      %get3A_334 = vector.shape_cast %get3A_333 : vector<16xf32> to vector<16xf32>
      %add3A_335 = arith.addf %get3A_331, %get3A_334 : vector<16xf32>
      %swap3A_336 = arith.index_cast %mul3A_329 : i32 to index
      %swap3A_337 = tpu.vector_load %arg16[%swap3A_336] {strides = array<i32>} : memref<512xf32, #tpu.memory_space<vmem>>, vector<16xf32>,
      %swap3A_338 = vector.shape_cast %swap3A_337 : vector<16xf32> to vector<16xf32>
      %swap3A_339 = vector.shape_cast %add3A_335 : vector<16xf32> to vector<16xf32>
      tpu.vector_store %arg16[%swap3A_336], %swap3A_339 {strides = array<i32>} : memref<512xf32, #tpu.memory_space<vmem>>, vector<16xf32>,
      %get3A_340 = arith.index_cast %add3A_327 : i32 to index
      %get3A_341 = tpu.vector_load %arg15[%get3A_340] {strides = array<i32>} : memref<1536xf32, #tpu.memory_space<vmem>>, vector<16xf32>,
      %get3A_342 = vector.shape_cast %get3A_341 : vector<16xf32> to vector<16xf32>
      %add3A_343 = arith.addf %scan3A_323, %get3A_342 : vector<16xf32>
      scf.yield %add3A_343 : vector<16xf32>
    }
    %scan3A_305 = arith.constant 32 : i32
    %swap3A_306 = arith.constant 16 : index
    %swap3A_307 = tpu.vector_load %arg17[%swap3A_306] {strides = array<i32>} : memref<48xf32, #tpu.memory_space<vmem>>, vector<16xf32>,
    %swap3A_308 = vector.shape_cast %swap3A_307 : vector<16xf32> to vector<16xf32>
    %swap3A_309 = vector.shape_cast %scan3A_304 : vector<16xf32> to vector<16xf32>
    tpu.vector_store %arg17[%swap3A_306], %swap3A_309 {strides = array<i32>} : memref<48xf32, #tpu.memory_space<vmem>>, vector<16xf32>,
    %broadcast_in_dim3A_310 = arith.constant 0.000000e+00 : f32
    %broadcast_in_dim3A_311 = vector.broadcast %broadcast_in_dim3A_310 : f32 to vector<16xf32>
    %scan3A_312 = arith.constant 0 : i32
    %scan3A_313 = arith.constant 32 : i32
    %scan3A_314 = arith.addi %scan3A_312, %scan3A_313 : i32
    %scan3A_315 = arith.constant 1 : i32
    %scan3A_316 = scf.for %scan3A_322 = %scan3A_312 to %scan3A_314 step %scan3A_315 iter_args(%scan3A_323 = %broadcast_in_dim3A_311) -> (vector<16xf32>)  : i32 {
      %mul3A_324 = arith.constant 16 : i32
      %mul3A_325 = arith.muli %scan3A_322, %mul3A_324 : i32
      %add3A_326 = arith.constant 1024 : i32
      %add3A_327 = arith.addi %add3A_326, %mul3A_325 : i32
      %mul3A_328 = arith.constant 16 : i32
      %mul3A_329 = arith.muli %scan3A_322, %mul3A_328 : i32
      %get3A = arith.index_cast %mul3A_329 : i32 to index
      %get3A_330 = tpu.vector_load %arg16[%get3A] {strides = array<i32>} : memref<512xf32, #tpu.memory_space<vmem>>, vector<16xf32>,
      %get3A_331 = vector.shape_cast %get3A_330 : vector<16xf32> to vector<16xf32>
      %get3A_332 = arith.index_cast %add3A_327 : i32 to index
      %get3A_333 = tpu.vector_load %arg14[%get3A_332] {strides = array<i32>} : memref<1536xf32, #tpu.memory_space<vmem>>, vector<16xf32>,
      %get3A_334 = vector.shape_cast %get3A_333 : vector<16xf32> to vector<16xf32>
      %add3A_335 = arith.addf %get3A_331, %get3A_334 : vector<16xf32>
      %swap3A_336 = arith.index_cast %mul3A_329 : i32 to index
      %swap3A_337 = tpu.vector_load %arg16[%swap3A_336] {strides = array<i32>} : memref<512xf32, #tpu.memory_space<vmem>>, vector<16xf32>,
      %swap3A_338 = vector.shape_cast %swap3A_337 : vector<16xf32> to vector<16xf32>
      %swap3A_339 = vector.shape_cast %add3A_335 : vector<16xf32> to vector<16xf32>
      tpu.vector_store %arg16[%swap3A_336], %swap3A_339 {strides = array<i32>} : memref<512xf32, #tpu.memory_space<vmem>>, vector<16xf32>,
      %get3A_340 = arith.index_cast %add3A_327 : i32 to index
      %get3A_341 = tpu.vector_load %arg15[%get3A_340] {strides = array<i32>} : memref<1536xf32, #tpu.memory_space<vmem>>, vector<16xf32>,
      %get3A_342 = vector.shape_cast %get3A_341 : vector<16xf32> to vector<16xf32>
      %add3A_343 = arith.addf %scan3A_323, %get3A_342 : vector<16xf32>
      scf.yield %add3A_343 : vector<16xf32>
    }
    %scan3A_317 = arith.constant 32 : i32
    %swap3A_318 = arith.constant 32 : index
    %swap3A_319 = tpu.vector_load %arg17[%swap3A_318] {strides = array<i32>} : memref<48xf32, #tpu.memory_space<vmem>>, vector<16xf32>,
    %swap3A_320 = vector.shape_cast %swap3A_319 : vector<16xf32> to vector<16xf32>
    %swap3A_321 = vector.shape_cast %scan3A_316 : vector<16xf32> to vector<16xf32>
    tpu.vector_store %arg17[%swap3A_318], %swap3A_321 {strides = array<i32>} : memref<48xf32, #tpu.memory_space<vmem>>, vector<16xf32>,
    "tpu.region"() ({
      %run_scoped3A = tpu.sem_alloc : memref<!tpu.dma_semaphore, #tpu.memory_space<semaphore_mem>>
      %dma_start3A_322 = tpu.memref_slice %arg11[%mul3A_2] : memref<16384xf32, #tpu.memory_space<hbm>> -> memref<512xf32, #tpu.memory_space<hbm>>
      %dma_start3A_323 = tpu.memref_slice %arg11[%mul3A_2] : memref<16384xf32, #tpu.memory_space<hbm>> -> memref<512xf32, #tpu.memory_space<hbm>>
      tpu.enqueue_dma source(%arg16 : memref<512xf32, #tpu.memory_space<vmem>>) target(%dma_start3A_323 : memref<512xf32, #tpu.memory_space<hbm>>) target_semaphore(%run_scoped3A : memref<!tpu.dma_semaphore, #tpu.memory_space<semaphore_mem>>)
      %dma_wait3A_324 = tpu.memref_slice %arg11[%mul3A_2] : memref<16384xf32, #tpu.memory_space<hbm>> -> memref<512xf32, #tpu.memory_space<hbm>>
      %dma_wait3A_325 = tpu.memref_slice %arg11[%mul3A_2] : memref<16384xf32, #tpu.memory_space<hbm>> -> memref<512xf32, #tpu.memory_space<hbm>>
      tpu.wait_dma2 semaphore(%run_scoped3A : memref<!tpu.dma_semaphore, #tpu.memory_space<semaphore_mem>>) src(%arg16 : memref<512xf32, #tpu.memory_space<vmem>>) dst(%dma_wait3A_325 : memref<512xf32, #tpu.memory_space<hbm>>)
      tpu.yield
    }) : () -> ()
    "tpu.region"() ({
      %run_scoped3A = tpu.sem_alloc : memref<!tpu.dma_semaphore, #tpu.memory_space<semaphore_mem>>
      %dma_start3A_322 = arith.constant 0 : i32
      %dma_start3A_323 = tpu.memref_slice %arg12[%add3A, %dma_start3A_322] : memref<32x48xf32, #tpu.memory_space<hbm>> -> memref<1x48xf32, #tpu.memory_space<hbm>>
      %dma_start3A_324 = tpu.memref_squeeze %dma_start3A_323 : memref<1x48xf32, #tpu.memory_space<hbm>> -> memref<48xf32, #tpu.memory_space<hbm>>
      %dma_start3A_325 = arith.constant 0 : i32
      %dma_start3A_326 = tpu.memref_slice %arg12[%add3A, %dma_start3A_325] : memref<32x48xf32, #tpu.memory_space<hbm>> -> memref<1x48xf32, #tpu.memory_space<hbm>>
      %dma_start3A_327 = tpu.memref_squeeze %dma_start3A_326 : memref<1x48xf32, #tpu.memory_space<hbm>> -> memref<48xf32, #tpu.memory_space<hbm>>
      tpu.enqueue_dma source(%arg17 : memref<48xf32, #tpu.memory_space<vmem>>) target(%dma_start3A_327 : memref<48xf32, #tpu.memory_space<hbm>>) target_semaphore(%run_scoped3A : memref<!tpu.dma_semaphore, #tpu.memory_space<semaphore_mem>>)
      %dma_wait3A_328 = arith.constant 0 : i32
      %dma_wait3A_329 = tpu.memref_slice %arg12[%add3A, %dma_wait3A_328] : memref<32x48xf32, #tpu.memory_space<hbm>> -> memref<1x48xf32, #tpu.memory_space<hbm>>
      %dma_wait3A_330 = tpu.memref_squeeze %dma_wait3A_329 : memref<1x48xf32, #tpu.memory_space<hbm>> -> memref<48xf32, #tpu.memory_space<hbm>>
      %dma_wait3A_331 = arith.constant 0 : i32
      %dma_wait3A_332 = tpu.memref_slice %arg12[%add3A, %dma_wait3A_331] : memref<32x48xf32, #tpu.memory_space<hbm>> -> memref<1x48xf32, #tpu.memory_space<hbm>>
      %dma_wait3A_333 = tpu.memref_squeeze %dma_wait3A_332 : memref<1x48xf32, #tpu.memory_space<hbm>> -> memref<48xf32, #tpu.memory_space<hbm>>
      tpu.wait_dma2 semaphore(%run_scoped3A : memref<!tpu.dma_semaphore, #tpu.memory_space<semaphore_mem>>) src(%arg17 : memref<48xf32, #tpu.memory_space<vmem>>) dst(%dma_wait3A_333 : memref<48xf32, #tpu.memory_space<hbm>>)
      tpu.yield
    }) : () -> ()
    return
  }
}

module attributes {stable_mosaic.version = 14 : i64} {
  func.func @_dense_body(%arg0: i32, %arg1: memref<32x32768xf32, #tpu.memory_space<vmem>>, %arg2: memref<32x32768xf32, #tpu.memory_space<vmem>>, %arg3: memref<32x32768xf32, #tpu.memory_space<vmem>>, %arg4: memref<1x96xf32, #tpu.memory_space<vmem>>, %arg5: memref<32768xf32, #tpu.memory_space<vmem>>, %arg6: memref<32768xf32, #tpu.memory_space<vmem>>, %arg7: memref<32768xf32, #tpu.memory_space<vmem>>, %arg8: memref<32768xf32, #tpu.memory_space<vmem>>, %arg9: memref<32768xf32, #tpu.memory_space<vmem>>, %arg10: memref<32768xf32, #tpu.memory_space<vmem>>) attributes {dimension_semantics = [#tpu.dimension_semantics<parallel>], iteration_bounds = array<i64: 31>, scalar_prefetch = 0 : i64, scratch_operands = 0 : i64, tpu.core_type = #tpu.core_type<tc>, window_params = [{transform_indices = @transform_0, window_bounds = array<i64: 32, 32768>}, {transform_indices = @transform_1, window_bounds = array<i64: 32, 32768>}, {transform_indices = @transform_2, window_bounds = array<i64: 32, 32768>}, {pipeline_mode = #tpu.pipeline_mode<synchronous>, transform_indices = @transform_3, window_bounds = array<i64: 1, 96>}, {transform_indices = @transform_4, window_bounds = array<i64: 32768>}, {transform_indices = @transform_5, window_bounds = array<i64: 32768>}, {transform_indices = @transform_6, window_bounds = array<i64: 32768>}, {transform_indices = @transform_7, window_bounds = array<i64: 32768>}, {transform_indices = @transform_8, window_bounds = array<i64: 32768>}, {transform_indices = @transform_9, window_bounds = array<i64: 32768>}]} {
    %broadcast_in_dim3A = arith.constant 1.000000e+00 : f32
    %broadcast_in_dim3A_0 = vector.broadcast %broadcast_in_dim3A : f32 to vector<1x32xf32>
    %get3A = arith.constant 0 : index
    %get3A_1 = arith.constant 0 : index
    %get3A_2 = vector.load %arg4[%get3A, %get3A_1] : memref<1x96xf32, #tpu.memory_space<vmem>>, vector<1x96xf32>
    %mul3A = arith.mulf %get3A_2, %get3A_2 : vector<1x96xf32>
    %reduce_sum3A = vector.shape_cast %mul3A : vector<1x96xf32> to vector<1x1x96xf32>
    %reduce_sum3A_3 = arith.constant dense<0.000000e+00> : vector<1xf32>
    %reduce_sum3A_4 = vector.multi_reduction <add>, %reduce_sum3A, %reduce_sum3A_3 [1, 2] : vector<1x1x96xf32> to vector<1xf32>
    %reduce_sum3A_5 = vector.shape_cast %reduce_sum3A_4 : vector<1xf32> to vector<1x1x1xf32>
    %reduce_sum3A_6 = vector.extract %reduce_sum3A_5[0, 0, 0] : f32 from vector<1x1x1xf32>
    %sqrt3A = math.sqrt %reduce_sum3A_6 : f32
    %max3A = arith.constant 1.000000e+00 : f32
    %max3A_7 = arith.maximumf %sqrt3A, %max3A : f32
    %div3A = vector.broadcast %max3A_7 : f32 to vector<1x96xf32>
    %div3A_8 = arith.divf %get3A_2, %div3A : vector<1x96xf32>
    %get3A_9 = arith.constant 0 : index
    %get3A_10 = arith.constant 0 : index
    %get3A_11 = vector.load %arg1[%get3A_9, %get3A_10] : memref<32x32768xf32, #tpu.memory_space<vmem>>, vector<32x32768xf32>
    %slice3A = vector.extract_strided_slice %div3A_8 {offsets = [0, 0], sizes = [1, 32], strides = [1, 1]} : vector<1x96xf32> to vector<1x32xf32>
    %dot_general3A = arith.constant dense<0.000000e+00> : vector<1x32768xf32>
    %dot_general3A_12 = tpu.matmul %slice3A, %get3A_11, %dot_general3A {dimension_numbers = #tpu.dot_dimension_numbers<[1], [0], [0], [1], [0, 0, 1, 1], [], []>, transpose_lhs_hint = false} : vector<1x32xf32>, vector<32x32768xf32>, vector<1x32768xf32> -> vector<1x32768xf32>
    %mul3A_13 = arith.mulf %get3A_11, %get3A_11 : vector<32x32768xf32>
    %dot_general3A_14 = arith.constant dense<0.000000e+00> : vector<1x32768xf32>
    %dot_general3A_15 = tpu.matmul %broadcast_in_dim3A_0, %mul3A_13, %dot_general3A_14 {dimension_numbers = #tpu.dot_dimension_numbers<[1], [0], [0], [1], [0, 0, 1, 1], [], []>, transpose_lhs_hint = false} : vector<1x32xf32>, vector<32x32768xf32>, vector<1x32768xf32> -> vector<1x32768xf32>
    %reshape3A = vector.shape_cast %dot_general3A_12 : vector<1x32768xf32> to vector<32768xf32>
    %swap3A = arith.constant 0 : index
    %swap3A_16 = vector.load %arg5[%swap3A] : memref<32768xf32, #tpu.memory_space<vmem>>, vector<32768xf32>
    tpu.vector_store %arg5[%swap3A], %reshape3A {strides = array<i32>} : memref<32768xf32, #tpu.memory_space<vmem>>, vector<32768xf32>,
    %reshape3A_17 = vector.shape_cast %dot_general3A_15 : vector<1x32768xf32> to vector<32768xf32>
    %swap3A_18 = arith.constant 0 : index
    %swap3A_19 = vector.load %arg8[%swap3A_18] : memref<32768xf32, #tpu.memory_space<vmem>>, vector<32768xf32>
    tpu.vector_store %arg8[%swap3A_18], %reshape3A_17 {strides = array<i32>} : memref<32768xf32, #tpu.memory_space<vmem>>, vector<32768xf32>,
    %get3A_20 = arith.constant 0 : index
    %get3A_21 = arith.constant 0 : index
    %get3A_22 = vector.load %arg2[%get3A_20, %get3A_21] : memref<32x32768xf32, #tpu.memory_space<vmem>>, vector<32x32768xf32>
    %slice3A_23 = vector.extract_strided_slice %div3A_8 {offsets = [0, 32], sizes = [1, 32], strides = [1, 1]} : vector<1x96xf32> to vector<1x32xf32>
    %dot_general3A_24 = arith.constant dense<0.000000e+00> : vector<1x32768xf32>
    %dot_general3A_25 = tpu.matmul %slice3A_23, %get3A_22, %dot_general3A_24 {dimension_numbers = #tpu.dot_dimension_numbers<[1], [0], [0], [1], [0, 0, 1, 1], [], []>, transpose_lhs_hint = false} : vector<1x32xf32>, vector<32x32768xf32>, vector<1x32768xf32> -> vector<1x32768xf32>
    %mul3A_26 = arith.mulf %get3A_22, %get3A_22 : vector<32x32768xf32>
    %dot_general3A_27 = arith.constant dense<0.000000e+00> : vector<1x32768xf32>
    %dot_general3A_28 = tpu.matmul %broadcast_in_dim3A_0, %mul3A_26, %dot_general3A_27 {dimension_numbers = #tpu.dot_dimension_numbers<[1], [0], [0], [1], [0, 0, 1, 1], [], []>, transpose_lhs_hint = false} : vector<1x32xf32>, vector<32x32768xf32>, vector<1x32768xf32> -> vector<1x32768xf32>
    %reshape3A_29 = vector.shape_cast %dot_general3A_25 : vector<1x32768xf32> to vector<32768xf32>
    %swap3A_30 = arith.constant 0 : index
    %swap3A_31 = vector.load %arg6[%swap3A_30] : memref<32768xf32, #tpu.memory_space<vmem>>, vector<32768xf32>
    tpu.vector_store %arg6[%swap3A_30], %reshape3A_29 {strides = array<i32>} : memref<32768xf32, #tpu.memory_space<vmem>>, vector<32768xf32>,
    %reshape3A_32 = vector.shape_cast %dot_general3A_28 : vector<1x32768xf32> to vector<32768xf32>
    %swap3A_33 = arith.constant 0 : index
    %swap3A_34 = vector.load %arg9[%swap3A_33] : memref<32768xf32, #tpu.memory_space<vmem>>, vector<32768xf32>
    tpu.vector_store %arg9[%swap3A_33], %reshape3A_32 {strides = array<i32>} : memref<32768xf32, #tpu.memory_space<vmem>>, vector<32768xf32>,
    %get3A_35 = arith.constant 0 : index
    %get3A_36 = arith.constant 0 : index
    %get3A_37 = vector.load %arg3[%get3A_35, %get3A_36] : memref<32x32768xf32, #tpu.memory_space<vmem>>, vector<32x32768xf32>
    %slice3A_38 = vector.extract_strided_slice %div3A_8 {offsets = [0, 64], sizes = [1, 32], strides = [1, 1]} : vector<1x96xf32> to vector<1x32xf32>
    %dot_general3A_39 = arith.constant dense<0.000000e+00> : vector<1x32768xf32>
    %dot_general3A_40 = tpu.matmul %slice3A_38, %get3A_37, %dot_general3A_39 {dimension_numbers = #tpu.dot_dimension_numbers<[1], [0], [0], [1], [0, 0, 1, 1], [], []>, transpose_lhs_hint = false} : vector<1x32xf32>, vector<32x32768xf32>, vector<1x32768xf32> -> vector<1x32768xf32>
    %mul3A_41 = arith.mulf %get3A_37, %get3A_37 : vector<32x32768xf32>
    %dot_general3A_42 = arith.constant dense<0.000000e+00> : vector<1x32768xf32>
    %dot_general3A_43 = tpu.matmul %broadcast_in_dim3A_0, %mul3A_41, %dot_general3A_42 {dimension_numbers = #tpu.dot_dimension_numbers<[1], [0], [0], [1], [0, 0, 1, 1], [], []>, transpose_lhs_hint = false} : vector<1x32xf32>, vector<32x32768xf32>, vector<1x32768xf32> -> vector<1x32768xf32>
    %reshape3A_44 = vector.shape_cast %dot_general3A_40 : vector<1x32768xf32> to vector<32768xf32>
    %swap3A_45 = arith.constant 0 : index
    %swap3A_46 = vector.load %arg7[%swap3A_45] : memref<32768xf32, #tpu.memory_space<vmem>>, vector<32768xf32>
    tpu.vector_store %arg7[%swap3A_45], %reshape3A_44 {strides = array<i32>} : memref<32768xf32, #tpu.memory_space<vmem>>, vector<32768xf32>,
    %reshape3A_47 = vector.shape_cast %dot_general3A_43 : vector<1x32768xf32> to vector<32768xf32>
    %swap3A_48 = arith.constant 0 : index
    %swap3A_49 = vector.load %arg10[%swap3A_48] : memref<32768xf32, #tpu.memory_space<vmem>>, vector<32768xf32>
    tpu.vector_store %arg10[%swap3A_48], %reshape3A_47 {strides = array<i32>} : memref<32768xf32, #tpu.memory_space<vmem>>, vector<32768xf32>,
    return
  }
  func.func @transform_0(%arg0: i32) -> (i32, i32) {
    %c0_i32 = arith.constant 0 : i32
    %c0_i32_0 = arith.constant 0 : i32
    return %c0_i32, %arg0 : i32, i32
  }
  func.func @transform_1(%arg0: i32) -> (i32, i32) {
    %c0_i32 = arith.constant 0 : i32
    %c0_i32_0 = arith.constant 0 : i32
    return %c0_i32, %arg0 : i32, i32
  }
  func.func @transform_2(%arg0: i32) -> (i32, i32) {
    %c0_i32 = arith.constant 0 : i32
    %c0_i32_0 = arith.constant 0 : i32
    return %c0_i32, %arg0 : i32, i32
  }
  func.func @transform_3(%arg0: i32) -> (i32, i32) {
    %c0_i32 = arith.constant 0 : i32
    %c0_i32_0 = arith.constant 0 : i32
    %c0_i32_1 = arith.constant 0 : i32
    return %c0_i32, %c0_i32_0 : i32, i32
  }
  func.func @transform_4(%arg0: i32) -> i32 {
    %c0_i32 = arith.constant 0 : i32
    return %arg0 : i32
  }
  func.func @transform_5(%arg0: i32) -> i32 {
    %c0_i32 = arith.constant 0 : i32
    return %arg0 : i32
  }
  func.func @transform_6(%arg0: i32) -> i32 {
    %c0_i32 = arith.constant 0 : i32
    return %arg0 : i32
  }
  func.func @transform_7(%arg0: i32) -> i32 {
    %c0_i32 = arith.constant 0 : i32
    return %arg0 : i32
  }
  func.func @transform_8(%arg0: i32) -> i32 {
    %c0_i32 = arith.constant 0 : i32
    return %arg0 : i32
  }
  func.func @transform_9(%arg0: i32) -> i32 {
    %c0_i32 = arith.constant 0 : i32
    return %arg0 : i32
  }
}

</mosaic_0001>

<sc_bundles>
// kernel: kernel.4.cloned.1.call-start
scs
__scs_entry_jumppad:
0x0: {  	(pc) =	sbr.rel $0x88, $3  }
0x1: {  	(tag) =	ssettag $0x0;
	lr =	simm.s32 $0x1  }
0x2: {  	[smem:$0x3F9A] =	sst lr;
	_ =	strace $0xD0000000  }
0x3: {  	_ = 	snop  }
0x4: {  	_ = 	snop  }
0x5: {  	_ = 	snop  }
0x6: {  	_ = 	snop  }
0x7: {  	_ = 	snop  }
__scs_overlays_trampoline_lowered:
0x8: {  	[smem:$0x3FA9] =	sst s0  }
0x9: {  	[smem:$0x3FAA] =	sst s1  }
0xa: {  	[smem:$0x3FAB] =	sst s2  }
0xb: {  	[smem:$0x3FAC] =	sst s3  }
0xc: {  	[smem:$0x3FAD] =	sst s4  }
0xd: {  	[smem:$0x3FAE] =	sst s5  }
0xe: {  	[smem:$0x3FAF] =	sst s6  }
0xf: {  	[smem:$0x3FB0] =	sst s7  }
0x10: {  	[smem:$0x3FB1] =	sst s8  }
0x11: {  	[smem:$0x3FB2] =	sst s9;
	s0 =	simm.s32 @!p0 $0x0  }
0x12: {  	s1 =	sld [smem:$0x3F98];
	s0 =	simm.s32 @p0 $0x1  }
0x13: {  	[smem:$0x3FB3] =	sst s0;
	s0 =	simm.s32 @!p1 $0x0  }
0x14: {  	s2 =	sld [smem:$0x3F97];
	s0 =	simm.s32 @p1 $0x1  }
0x15: {  	[smem:$0x3FB4] =	sst s0;
	s0 =	simm.s32 @!p2 $0x0  }
0x16: {  	s3 =	sld [smem:$0x3FDB];
	s0 =	simm.s32 @p2 $0x1  }
0x17: {  	s4 =	simm.s32 $0x1BF5;
	[smem:$0x3FB6] =	sst s0  }
0x18: {  	s0 =	sld [smem:$0x3F99];
	_ =	swait.ge [sflag:s4], $0x0  }
0x19: {  	s7 =	sld [smem:$0x3F9A]  }
0x1a: {  	s8 =	sadd.s32 $0xFFFFE003, lr  }
0x1b: {  	s9 =	sadd.s32 $0xFFFFFEF7, lr;
	s5 =	simm.s32 $0xFFFFFFFF;
	p2 =	slt.u32 s8, $0xFFFFF086  }
0x1c: {  	p1 =	slt.u32 s9, $0xF7A;
	s5 =	simm.s32 @!p2 $0x0  }
0x1d: {  	s5 =	simm.s32 @p1 $0x1;
	p0 =	seq.s32 s7, s2  }
0x1e: {  	s7 =	smul.u32 @!p0 $0xF7A, s2;
	p2 =	seq.s32 @!p0 s5, $0x0  }
0x1f: {  	s9 =	smul.u32 $0xF7A, s1;
	s8 =	simm.s32 @!p0 $0x1BF5;
	p2 =	por !p2, p0  }
0x20: {  	[sflag:s8] =	ssyncset.s32 @!p0 $0xFFFFF086;
	s6 =	sadd.s32 @!p0 s3, s7;
	s7 =	simm.s32 @!p0 $0x108  }
0x21: {  	s3 =	sadd.s32 s3, s9;
	s6 =	sadd.s32 @!p0 $0x88, s6;
	s7 =	simm.s32 @p2 $0x1082  }
0x22: {  	[simem:s7], [sflag:s8] =	dma.local @!p0 [hbm:s6], $0xF7A  }
0x23: {  	s9 =	sor.u32 $0xD0000000, s2;
	s6 =	simm.s32 $0x108;
	_ =	swait.ge @!p0 [sflag:s8], $0x0  }
0x24: {  	s3 =	sadd.s32 $0x88, s3;
	s6 =	simm.s32 @!p1 $0x1082;
	[sflag:s4] =	ssyncset.s32 $0xFFFFF086  }
0x25: {  	[simem:s6], [sflag:s4] =	dma.local [hbm:s3], $0xF7A  }
0x26: {  	[smem:$0x3F9A] =	sst s1;
	(tag) =	ssettag s2;
	_ =	strace s9  }
0x27: {  	s1 =	sld [smem:$0x3FAA]  }
0x28: {  	s2 =	sld [smem:$0x3FAB]  }
0x29: {  	s4 =	sld [smem:$0x3FAD]  }
0x2a: {  	p0 =	seq.s32 s5, $0x0;
	s5 =	sld [smem:$0x3FAE]  }
0x2b: {  	s6 =	sld [smem:$0x3FAF]  }
0x2c: {  	s7 =	sld [smem:$0x3FB0]  }
0x2d: {  	s3 =	simm.s32 $0x108;
	s8 =	sld [smem:$0x3FB1]  }
0x2e: {  	s3 =	simm.s32 @!p0 $0x1082;
	s9 =	sld [smem:$0x3FB2]  }
0x2f: {  	lr =	sadd.s32 s0, s3;
	s0 =	sld [smem:$0x3FA9]  }
0x30: {  	s3 =	sld [smem:$0x3FAC]  }
0x31: {  	[smem:$0x3FB5] =	sst s10  }
0x32: {  	s10 =	sld [smem:$0x3FB3];
	_ =	sdelay $0x3  }
0x33: {  	p0 =	seq.s32 s10, $0x1;
	s10 =	sld [smem:$0x3FB5];
	_ =	sdelay $0x3  }
0x34: {  	[smem:$0x3FB5] =	sst s10  }
0x35: {  	s10 =	sld [smem:$0x3FB4];
	_ =	sdelay $0x3  }
0x36: {  	p1 =	seq.s32 s10, $0x1;
	s10 =	sld [smem:$0x3FB5];
	_ =	sdelay $0x3  }
0x37: {  	[smem:$0x3FB5] =	sst s10  }
0x38: {  	s10 =	sld [smem:$0x3FB6]  }
0x39: {  	_ = 	snop;
	(pc) =	sbr.ind lr, $3  }
0x3a: {  	_ = 	snop  }
0x3b: {  	_ = 	snop  }
0x3c: {  	p2 =	seq.s32 s10, $0x1;
	s10 =	sld [smem:$0x3FB5]  }
0x3d: {  	_ =	shalt  }
0x3e: {  	_ =	shalt  }
0x3f: {  	_ =	shalt  }
0x40: {  	_ =	shalt  }
0x41: {  	_ =	shalt  }
0x42: {  	_ =	shalt  }
0x43: {  	_ =	shalt  }
0x44: {  	_ =	shalt  }
0x45: {  	_ =	shalt  }
0x46: {  	_ =	shalt  }
0x47: {  	_ =	shalt  }
0x48: {  	_ =	shalt  }
0x49: {  	_ =	shalt  }
0x4a: {  	_ =	shalt  }
0x4b: {  	_ =	shalt  }
0x4c: {  	_ =	shalt  }
0x4d: {  	_ =	shalt  }
0x4e: {  	_ =	shalt  }
0x4f: {  	_ =	shalt  }
0x50: {  	_ =	shalt  }
0x51: {  	_ =	shalt  }
0x52: {  	_ =	shalt  }
0x53: {  	_ =	shalt  }
0x54: {  	_ =	shalt  }
0x55: {  	_ =	shalt  }
0x56: {  	_ =	shalt  }
0x57: {  	_ =	shalt  }
0x58: {  	_ =	shalt  }
0x59: {  	_ =	shalt  }
0x5a: {  	_ =	shalt  }
0x5b: {  	_ =	shalt  }
0x5c: {  	_ =	shalt  }
0x5d: {  	_ =	shalt  }
0x5e: {  	_ =	shalt  }
0x5f: {  	_ =	shalt  }
0x60: {  	_ =	shalt  }
0x61: {  	_ =	shalt  }
0x62: {  	_ =	shalt  }
0x63: {  	_ =	shalt  }
0x64: {  	_ =	shalt  }
0x65: {  	_ =	shalt  }
0x66: {  	_ =	shalt  }
0x67: {  	_ =	shalt  }
0x68: {  	_ =	shalt  }
0x69: {  	_ =	shalt  }
0x6a: {  	_ =	shalt  }
0x6b: {  	_ =	shalt  }
0x6c: {  	_ =	shalt  }
0x6d: {  	_ =	shalt  }
0x6e: {  	_ =	shalt  }
0x6f: {  	_ =	shalt  }
0x70: {  	_ =	shalt  }
0x71: {  	_ =	shalt  }
0x72: {  	_ =	shalt  }
0x73: {  	_ =	shalt  }
0x74: {  	_ =	shalt  }
0x75: {  	_ =	shalt  }
0x76: {  	_ =	shalt  }
0x77: {  	_ =	shalt  }
0x78: {  	_ =	shalt  }
0x79: {  	_ =	shalt  }
0x7a: {  	_ =	shalt  }
0x7b: {  	_ =	shalt  }
0x7c: {  	_ =	shalt  }
0x7d: {  	_ =	shalt  }
0x7e: {  	_ =	shalt  }
0x7f: {  	_ =	shalt  }
0x80: {  	_ =	shalt  }
0x81: {  	_ =	shalt  }
0x82: {  	_ =	shalt  }
0x83: {  	_ =	shalt  }
0x84: {  	_ =	shalt  }
0x85: {  	_ =	shalt  }
0x86: {  	_ =	shalt  }
0x87: {  	_ =	shalt  }
.Lfunc_end0:
.L_simem_size_0:
called_computation_lowered:
.L_overlay_start_0:
0x88: {  	s2 =	sld [smem:$0x3FD9]  }
0x89: {  	s3 =	sld [smem:$0x3FFE];
	_ =	sdelay $0x1  }
0x8a: {  	s1 =	srdreg.scid  }
0x8b: {  	s0 =	sand.u32 $0x1, s1  }
0x8c: {  	s14 =	sshll.u32 s0, $0xA;
	s2 =	sadd.s32 s3, s2  }
0x8d: {  	s2 =	sadd.s32 s2, s14  }
0x8e: {  	[smem:$0x3FC1] =	sst s2  }
0x8f: {  	_ = 	snop  }
0x90: {  	s2 =	sld [smem:$0x3FD0]  }
0x91: {  	s15 =	sld [smem:$0x3FC9]  }
0x92: {  	s4 =	sld [smem:$0x3FC8]  }
0x93: {  	s6 =	simm.s32 $0xA;
	s7 =	simm.s32 $0x10;
	s5 =	sld [smem:$0x3FC7]  }
0x94: {  	[smem:s7], [sflag:s6] =	dma.local [hbm:s2], $0x1  }
0x95: {  	_ =	swait.eq [sflag:s6], $0x1  }
0x96: {  	[sflag:s6] =	ssyncset.done $0x0  }
0x97: {  	[sflag:s6] =	ssyncadd.s32 $0xFFFFFFFF  }
0x98: {  	s16 =	sld [smem:$0x10];
	(tm) =	ssettm $0x1  }
0x99: {  	s17 =	sld [smem:$0x3FFB];
	_ =	sdelay $0x3  }
0x9a: {  	_ =	strace s17  }
0x9b: {  	s6 =	sld [smem:$0x3FFC];
	_ =	sdelay $0x3  }
0x9c: {  	_ =	strace s6  }
0x9d: {  	s6 =	sld [smem:$0x3FFD];
	_ =	sdelay $0x3  }
0x9e: {  	_ =	strace s6  }
0x9f: {  	_ =	strace $0x8FFFFFFF  }
0xa0: {  	s18 =	sld [smem:$0x3FDB];
	_ =	sdelay $0x1  }
0xa1: {  	s19 =	simm.s32 $_scs_section_size  }
0xa2: {  	s8 =	simm.s32 $_size__tile_overlayer_lowered;
	s9 =	simm.s32 $_tile_overlayer_lowered  }
0xa3: {  	s22 =	simm.s32 $0x1BFF;
	s21 =	sshll.u32 s9, $0x1;
	s6 =	sadd.s32 s19, s18  }
0xa4: {  	s10 =	simm.s32 $0x0;
	s20 =	sshll.u32 s8, $0x1;
	s8 =	sadd.s32 s21, s6  }
0xa5: {  	[timem:s10], [sflag:s22] =	dma.local [hbm:s8], s20  }
0xa6: {  	_ =	swait.ge [sflag:s22], s20  }
0xa7: {  	s7 =	ssub.s32 $0x0, s20;
	[sflag:s22] =	ssyncset.done $0x0  }
0xa8: {  	[sflag:s22] =	ssyncadd.s32 s7;
	_ =	sdelay $0x1  }
0xa9: {  	s23 =	simm.s32 $0x1B8B  }
0xaa: {  	_ =	swait.ge [sflag:s23], $0x1  }
0xab: {  	[sflag:s23] =	ssyncset.done $0x0  }
0xac: {  	s25 =	simm.s32 $0x1B8E;
	s24 =	sld [smem:$0x3FFE];
	[sflag:s23] =	ssyncadd.s32 $0xFFFFFFFF  }
0xad: {  	s26 =	simm.s32 $execute0_lowered;
	[smem:$0x3FD2] =	sst s25  }
0xae: {  	s8 =	sshll.u32 s26, $0x1;
	_ =	strace $0x80000046;
	[dreg:$0x1] =	wrdreg $0xFFFFFFFF  }
0xaf: {  	s28 =	simm.s32 $_size_execute0_lowered;
	s6 =	sadd.s32 s6, s8;
	[dreg:$0x0] =	wrdreg $0x0  }
0xb0: {  	s8 =	sshll.u32 s28, $0x1;
	[dreg:$0x2] =	wrdreg s6  }
0xb1: {  	[dreg:$0x3] =	wrdreg s8  }
0xb2: {  	[dreg:$0x4] =	wrdreg $0xC0  }
0xb3: {  	_ =	task [dreg:s10], $0x5FFFF  }
0xb4: {  	[dreg:$0x1] =	wrdreg $0xFFFFFFFF  }
0xb5: {  	[dreg:$0x0] =	wrdreg $0x60  }
0xb6: {  	[dreg:$0x2] =	wrdreg s15  }
0xb7: {  	[dreg:$0x3] =	wrdreg s4  }
0xb8: {  	[dreg:$0x4] =	wrdreg s5  }
0xb9: {  	[dreg:$0x5] =	wrdreg s24  }
0xba: {  	[dreg:$0x6] =	wrdreg s16  }
0xbb: {  	[dreg:$0x7] =	wrdreg $0x9  }
0xbc: {  	_ =	task.clear_ibuf [dreg:s10], $0x8FFFF;
	_ =	strace $0x90000046  }
0xbd: {  	s29 =	simm.s32 $0x9;
	_ =	strace $0x80000048  }
0xbe: {  	_ =	swait.ge [sflag:s29], $0x1  }
0xbf: {  	[sflag:s29] =	ssyncadd.s32 $0xFFFFFFFF  }
0xc0: {  	_ =	strace $0x90000048  }
0xc1: {  	_ =	sfence  }
0xc2: {  	s30 =	sld [smem:$0x0];
	_ =	sdelay $0x2  }
0xc3: {  	s31 =	sshll.u32 s1, $0xD;
	s1 =	sshrl.u32 s1, $0x2  }
0xc4: {  	s3 =	sand.u32 $0x4000, s31;
	s1 =	sadd.s32 s1, s30  }
0xc5: {  	s0 =	sor.u32 s3, s0;
	s1 =	sshll.u32 s1, $0x11  }
0xc6: {  	s0 =	sor.u32 s1, s0  }
0xc7: {  	s0 =	sadd.s32 $0x8F2B, s0  }
0xc8: {  	[sflag:s0] =	ssyncadd.remote.s32 $0x1  }
0xc9: {  	_ =	sfence.sel $0xFFFF  }
0xca: {  	[dreg:$0x0] =	wrdreg $0xFFFFFFFF;
	(pc) =	sbr.abs _section_cstart, $3  }
0xcb: {  	[dreg:$0x1] =	wrdreg $0xFFFFFFFF  }
0xcc: {  	_ =	task.clear_ibuf [dreg:s10], $0x2FFFF;
	_ =	strace $0x9FFFFFFF  }
0xcd: {  	(tm) =	ssettm $0x7FFFFFFF  }
tec
execute0_lowered:
.L_overlay_start_1:
0x0: {  	(tag) =	ssettag $0x1  }
0x1: {  	s0 =	rddreg [dreg:$0x0]  }
0x2: {  	s3 =	rddreg [dreg:$0x1]  }
0x3: {  	s11 =	rddreg [dreg:$0x2]  }
0x4: {  	s9 =	rddreg [dreg:$0x3]  }
0x5: {  	s12 =	rddreg [dreg:$0x4]  }
0x6: {  	s1 =	simm.s32 $0x0;
	s15 =	stileid.u32;
	s10 =	srdreg.scid  }
0x7: {  	s17 =	simm.s32 $0x400;
	s18 =	simm.s32 $0x80;
	s23 =	simm.s32 $0x100  }
0x8: {  	s26 =	simm.s32 $0x180;
	s20 =	simm.s32 $0x300;
	s24 =	simm.s32 $0x380  }
0x9: {  	s31 =	simm.s32 $0x480;
	s21 =	simm.s32 $0x500;
	s28 =	simm.s32 $0x580  }
0xa: {  	s22 =	simm.s32 $0x1400;
	s25 =	simm.s32 $0x0;
	[smem:$0x7FF] =	sst s1  }
0xb: {  	s2 =	sadd.s32 $0x1F800, s9;
	s4 =	sadd.s32 $0x3E200, s9;
	s5 =	sadd.s32 $0x5CC00, s9  }
0xc: {  	s6 =	sadd.s32 $0x7B600, s9;
	s7 =	sadd.s32 $0x9A000, s9;
	s8 =	sadd.s32 $0xE00, s9  }
0xd: {  	s13 =	sshll.u32 s15, $0x4;
	s10 =	sand.u32 $0x1, s10;
	_ =	strace $0x80000047  }
0xe: {  	s13 =	sand.u32 $0x70, s13;
	s14 =	ssub.s32 $0x2, s10;
	s10 =	sshll.u32 s10, $0x4  }
0xf: {  	s13 =	sadd.s32 s13, s9;
	s29 =	sshrl.u32 s14, $0x1;
	s10 =	sor.u32 s15, s10  }
0x10: {  	s14 =	ssub.s32 s14, s29;
	s15 =	sshll.u32 s10, $0x6;
	s16 =	sshll.u32 s10, $0x4  }
0x11: {  	s9 =	sadd.s32 s0, s15;
	s10 =	sadd.s32 s3, s15;
	s30 =	sand.u32 $0x180, s16  }
0x12: {  	s11 =	sadd.s32 s11, s15;
	s12 =	sadd.s32 s12, s15;
	s14 =	smax.u32 s14, $0x1  }
0x13: {  	s15 =	simm.s32 $0x2;
	s16 =	simm.s32 $0x200;
	s0 =	sadd.s32 s30, s13  }
0x14: {  	s3 =	simm.s32 $0x1;
	s13 =	sadd.s32 $0xB8A00, s0;
	s0 =	simm.s32 $0x280  }
.LBB2_1:
0x15: {  	[tilespmem:s1], [sflag:$0x2] =	stream.linear.gather [hbm4b:s9+s1], $0x200, $0x38;
	[tilespmem:$0x1480] =	vst v63  }
0x16: {  	_ =	swait.ge [sflag:s15], $0x200  }
0x17: {  	[sflag:s15] =	ssyncset.done $0x0  }
0x18: {  	[sflag:s15] =	ssyncadd.s32 $0xFFFFFE00  }
0x19: {  	[tilespmem:s16], [sflag:$0x2] =	stream.linear.gather [hbm4b:s10+s1], $0x200, $0x38;
	[tilespmem:$0x1480] =	vst v63  }
0x1a: {  	_ =	swait.ge [sflag:s15], $0x200  }
0x1b: {  	[sflag:s15] =	ssyncset.done $0x0  }
0x1c: {  	[sflag:s15] =	ssyncadd.s32 $0xFFFFFE00  }
0x1d: {  	[tilespmem:s17], [sflag:$0x2] =	stream.linear.gather [hbm4b:s11+s1], $0x200, $0x38;
	[tilespmem:$0x1480] =	vst v63  }
0x1e: {  	_ =	swait.ge [sflag:s15], $0x200  }
0x1f: {  	[sflag:s15] =	ssyncset.done $0x0  }
0x20: {  	s19 =	simm.s32 $0x600;
	[sflag:s15] =	ssyncadd.s32 $0xFFFFFE00  }
0x21: {  	[tilespmem:s19], [sflag:$0x1] =	stream.indirect.gather [hbm4b:s2+s18], $0x1, s1, s18, $0xb8;
	[tilespmem:$0x1480] =	vst v63  }
0x22: {  	s19 =	simm.s32 $0xC00  }
0x23: {  	[tilespmem:s19], [sflag:$0x1] =	stream.indirect.gather [hbm4b:s6+s18], $0x1, s1, s18, $0xb8;
	[tilespmem:$0x1480] =	vst v63  }
0x24: {  	s19 =	simm.s32 $0x680  }
0x25: {  	[tilespmem:s19], [sflag:$0x1] =	stream.indirect.gather [hbm4b:s2+s18], $0x1, s18, s18, $0xb8;
	[tilespmem:$0x1480] =	vst v63  }
0x26: {  	s19 =	simm.s32 $0xC80  }
0x27: {  	[tilespmem:s19], [sflag:$0x1] =	stream.indirect.gather [hbm4b:s6+s18], $0x1, s18, s18, $0xb8;
	[tilespmem:$0x1480] =	vst v63  }
0x28: {  	s19 =	simm.s32 $0x700  }
0x29: {  	[tilespmem:s19], [sflag:$0x1] =	stream.indirect.gather [hbm4b:s2+s18], $0x1, s23, s18, $0xb8;
	[tilespmem:$0x1480] =	vst v63  }
0x2a: {  	s19 =	simm.s32 $0xD00  }
0x2b: {  	[tilespmem:s19], [sflag:$0x1] =	stream.indirect.gather [hbm4b:s6+s18], $0x1, s23, s18, $0xb8;
	[tilespmem:$0x1480] =	vst v63  }
0x2c: {  	s19 =	simm.s32 $0x780  }
0x2d: {  	[tilespmem:s19], [sflag:$0x1] =	stream.indirect.gather [hbm4b:s2+s18], $0x1, s26, s18, $0xb8;
	[tilespmem:$0x1480] =	vst v63  }
0x2e: {  	s19 =	simm.s32 $0xD80  }
0x2f: {  	[tilespmem:s19], [sflag:$0x1] =	stream.indirect.gather [hbm4b:s6+s18], $0x1, s26, s18, $0xb8;
	[tilespmem:$0x1480] =	vst v63  }
0x30: {  	s19 =	simm.s32 $0x800  }
0x31: {  	[tilespmem:s19], [sflag:$0x1] =	stream.indirect.gather [hbm4b:s4+s18], $0x1, s16, s18, $0xb8;
	[tilespmem:$0x1480] =	vst v63  }
0x32: {  	s19 =	simm.s32 $0xE00  }
0x33: {  	[tilespmem:s19], [sflag:$0x1] =	stream.indirect.gather [hbm4b:s7+s18], $0x1, s16, s18, $0xb8;
	[tilespmem:$0x1480] =	vst v63  }
0x34: {  	s19 =	simm.s32 $0x880  }
0x35: {  	[tilespmem:s19], [sflag:$0x1] =	stream.indirect.gather [hbm4b:s4+s18], $0x1, s0, s18, $0xb8;
	[tilespmem:$0x1480] =	vst v63  }
0x36: {  	s19 =	simm.s32 $0xE80  }
0x37: {  	[tilespmem:s19], [sflag:$0x1] =	stream.indirect.gather [hbm4b:s7+s18], $0x1, s0, s18, $0xb8;
	[tilespmem:$0x1480] =	vst v63  }
0x38: {  	s19 =	simm.s32 $0x900  }
0x39: {  	[tilespmem:s19], [sflag:$0x1] =	stream.indirect.gather [hbm4b:s4+s18], $0x1, s20, s18, $0xb8;
	[tilespmem:$0x1480] =	vst v63  }
0x3a: {  	s19 =	simm.s32 $0xF00  }
0x3b: {  	[tilespmem:s19], [sflag:$0x1] =	stream.indirect.gather [hbm4b:s7+s18], $0x1, s20, s18, $0xb8;
	[tilespmem:$0x1480] =	vst v63  }
0x3c: {  	s19 =	simm.s32 $0x980  }
0x3d: {  	[tilespmem:s19], [sflag:$0x1] =	stream.indirect.gather [hbm4b:s4+s18], $0x1, s24, s18, $0xb8;
	[tilespmem:$0x1480] =	vst v63  }
0x3e: {  	s19 =	simm.s32 $0xF80  }
0x3f: {  	[tilespmem:s19], [sflag:$0x1] =	stream.indirect.gather [hbm4b:s7+s18], $0x1, s24, s18, $0xb8;
	[tilespmem:$0x1480] =	vst v63  }
0x40: {  	s19 =	simm.s32 $0xA00  }
0x41: {  	[tilespmem:s19], [sflag:$0x1] =	stream.indirect.gather [hbm4b:s5+s18], $0x1, s17, s18, $0xb8;
	[tilespmem:$0x1480] =	vst v63  }
0x42: {  	s19 =	simm.s32 $0x1000  }
0x43: {  	[tilespmem:s19], [sflag:$0x1] =	stream.indirect.gather [hbm4b:s8+s18], $0x1, s17, s18, $0xb8;
	[tilespmem:$0x1480] =	vst v63  }
0x44: {  	s19 =	simm.s32 $0xA80  }
0x45: {  	[tilespmem:s19], [sflag:$0x1] =	stream.indirect.gather [hbm4b:s5+s18], $0x1, s31, s18, $0xb8;
	[tilespmem:$0x1480] =	vst v63  }
0x46: {  	s19 =	simm.s32 $0x1080  }
0x47: {  	[tilespmem:s19], [sflag:$0x1] =	stream.indirect.gather [hbm4b:s8+s18], $0x1, s31, s18, $0xb8;
	[tilespmem:$0x1480] =	vst v63  }
0x48: {  	s19 =	simm.s32 $0xB00  }
0x49: {  	[tilespmem:s19], [sflag:$0x1] =	stream.indirect.gather [hbm4b:s5+s18], $0x1, s21, s18, $0xb8;
	[tilespmem:$0x1480] =	vst v63  }
0x4a: {  	s19 =	simm.s32 $0x1100  }
0x4b: {  	[tilespmem:s19], [sflag:$0x1] =	stream.indirect.gather [hbm4b:s8+s18], $0x1, s21, s18, $0xb8;
	[tilespmem:$0x1480] =	vst v63  }
0x4c: {  	s19 =	simm.s32 $0xB80  }
0x4d: {  	[tilespmem:s19], [sflag:$0x1] =	stream.indirect.gather [hbm4b:s5+s18], $0x1, s28, s18, $0xb8;
	[tilespmem:$0x1480] =	vst v63  }
0x4e: {  	s19 =	simm.s32 $0x1180  }
0x4f: {  	[tilespmem:s19], [sflag:$0x1] =	stream.indirect.gather [hbm4b:s8+s18], $0x1, s28, s18, $0xb8;
	[tilespmem:$0x1480] =	vst v63  }
0x50: {  	_ =	swait.ge [sflag:s3], $0x80  }
0x51: {  	[sflag:s3] =	ssyncset.done $0x0  }
0x52: {  	[sflag:s3] =	ssyncadd.s32 $0xFFFFFF80  }
0x53: {  	_ =	swait.ge [sflag:s3], $0x80  }
0x54: {  	[sflag:s3] =	ssyncset.done $0x0  }
0x55: {  	[sflag:s3] =	ssyncadd.s32 $0xFFFFFF80  }
0x56: {  	_ =	swait.ge [sflag:s3], $0x80  }
0x57: {  	[sflag:s3] =	ssyncset.done $0x0  }
0x58: {  	[sflag:s3] =	ssyncadd.s32 $0xFFFFFF80  }
0x59: {  	_ =	swait.ge [sflag:s3], $0x80  }
0x5a: {  	[sflag:s3] =	ssyncset.done $0x0  }
0x5b: {  	[sflag:s3] =	ssyncadd.s32 $0xFFFFFF80  }
0x5c: {  	_ =	swait.ge [sflag:s3], $0x80  }
0x5d: {  	[sflag:s3] =	ssyncset.done $0x0  }
0x5e: {  	[sflag:s3] =	ssyncadd.s32 $0xFFFFFF80  }
0x5f: {  	_ =	swait.ge [sflag:s3], $0x80  }
0x60: {  	[sflag:s3] =	ssyncset.done $0x0  }
0x61: {  	[sflag:s3] =	ssyncadd.s32 $0xFFFFFF80  }
0x62: {  	_ =	swait.ge [sflag:s3], $0x80  }
0x63: {  	[sflag:s3] =	ssyncset.done $0x0  }
0x64: {  	[sflag:s3] =	ssyncadd.s32 $0xFFFFFF80  }
0x65: {  	_ =	swait.ge [sflag:s3], $0x80  }
0x66: {  	[sflag:s3] =	ssyncset.done $0x0  }
0x67: {  	[sflag:s3] =	ssyncadd.s32 $0xFFFFFF80  }
0x68: {  	_ =	swait.ge [sflag:s3], $0x80  }
0x69: {  	[sflag:s3] =	ssyncset.done $0x0  }
0x6a: {  	[sflag:s3] =	ssyncadd.s32 $0xFFFFFF80  }
0x6b: {  	_ =	swait.ge [sflag:s3], $0x80  }
0x6c: {  	[sflag:s3] =	ssyncset.done $0x0  }
0x6d: {  	[sflag:s3] =	ssyncadd.s32 $0xFFFFFF80  }
0x6e: {  	_ =	swait.ge [sflag:s3], $0x80  }
0x6f: {  	[sflag:s3] =	ssyncset.done $0x0  }
0x70: {  	[sflag:s3] =	ssyncadd.s32 $0xFFFFFF80  }
0x71: {  	_ =	swait.ge [sflag:s3], $0x80  }
0x72: {  	[sflag:s3] =	ssyncset.done $0x0  }
0x73: {  	[sflag:s3] =	ssyncadd.s32 $0xFFFFFF80  }
0x74: {  	_ =	swait.ge [sflag:s3], $0x80  }
0x75: {  	[sflag:s3] =	ssyncset.done $0x0  }
0x76: {  	[sflag:s3] =	ssyncadd.s32 $0xFFFFFF80  }
0x77: {  	_ =	swait.ge [sflag:s3], $0x80  }
0x78: {  	[sflag:s3] =	ssyncset.done $0x0  }
0x79: {  	[sflag:s3] =	ssyncadd.s32 $0xFFFFFF80  }
0x7a: {  	_ =	swait.ge [sflag:s3], $0x80  }
0x7b: {  	[sflag:s3] =	ssyncset.done $0x0  }
0x7c: {  	[sflag:s3] =	ssyncadd.s32 $0xFFFFFF80  }
0x7d: {  	_ =	swait.ge [sflag:s3], $0x80  }
0x7e: {  	[sflag:s3] =	ssyncset.done $0x0  }
0x7f: {  	[sflag:s3] =	ssyncadd.s32 $0xFFFFFF80  }
0x80: {  	_ =	swait.ge [sflag:s3], $0x80  }
0x81: {  	[sflag:s3] =	ssyncset.done $0x0  }
0x82: {  	[sflag:s3] =	ssyncadd.s32 $0xFFFFFF80  }
0x83: {  	_ =	swait.ge [sflag:s3], $0x80  }
0x84: {  	[sflag:s3] =	ssyncset.done $0x0  }
0x85: {  	[sflag:s3] =	ssyncadd.s32 $0xFFFFFF80  }
0x86: {  	_ =	swait.ge [sflag:s3], $0x80  }
0x87: {  	[sflag:s3] =	ssyncset.done $0x0  }
0x88: {  	[sflag:s3] =	ssyncadd.s32 $0xFFFFFF80  }
0x89: {  	_ =	swait.ge [sflag:s3], $0x80  }
0x8a: {  	[sflag:s3] =	ssyncset.done $0x0  }
0x8b: {  	[sflag:s3] =	ssyncadd.s32 $0xFFFFFF80  }
0x8c: {  	_ =	swait.ge [sflag:s3], $0x80  }
0x8d: {  	[sflag:s3] =	ssyncset.done $0x0  }
0x8e: {  	[sflag:s3] =	ssyncadd.s32 $0xFFFFFF80  }
0x8f: {  	_ =	swait.ge [sflag:s3], $0x80  }
0x90: {  	[sflag:s3] =	ssyncset.done $0x0  }
0x91: {  	[sflag:s3] =	ssyncadd.s32 $0xFFFFFF80  }
0x92: {  	_ =	swait.ge [sflag:s3], $0x80  }
0x93: {  	[sflag:s3] =	ssyncset.done $0x0  }
0x94: {  	[sflag:s3] =	ssyncadd.s32 $0xFFFFFF80  }
0x95: {  	_ =	swait.ge [sflag:s3], $0x80  }
0x96: {  	[sflag:s3] =	ssyncset.done $0x0  }
0x97: {  	s29 =	simm.s32 $0x0;
	[sflag:s3] =	ssyncadd.s32 $0xFFFFFF80  }
0x98: {  	v1 =	vld [tilespmem:s29+$0xC00]  }
0x99: {  	v0 =	vimm.f32 $0.0e+00;
	s30 =	simm.s32 $0x40;
	v2 =	vld [tilespmem:s29+$0x600]  }
.LBB2_2:
0x9a: {  	p0 =	sne.s32 s30, $0x7C0  }
.Ltmp0:
0x9b: {  	_ = 	snop;
	(pc) =	sbr.rel @p0 .LBB2_2-.Ltmp0, $4  }
0x9c: {  	_ = 	snop  }
0x9d: {  	s19 =	sshra.s32 s30, $0x2;
	s30 =	sadd.s32 $0x40, s30;
	v0 =	vadd.f32 v1, v0  }
0x9e: {  	v1 =	vld [tilespmem:s19+$0xC00];
	[tilespmem:s29+$0x1200] =	vst v2;
	s29 =	smov.u32 s19  }
0x9f: {  	v2 =	vld [tilespmem:s29+$0x600]  }
0xa0: {  	_ =	sdelay $0x2  }
0xa1: {  	v0 =	vadd.f32 v1, v0  }
0xa2: {  	[tilespmem:s29+$0x1200] =	vst v2  }
0xa3: {  	s29 =	simm.s32 $0x0;
	[tilespmem:$0x1400] =	vst v0  }
0xa4: {  	s30 =	simm.s32 $0x40;
	v0 =	vimm.f32 $0.0e+00;
	v1 =	vld [tilespmem:s29+$0x800]  }
.LBB2_4:
0xa5: {  	p0 =	sne.s32 s30, $0x7C0;
	v2 =	vld [tilespmem:s29+$0x1200]  }
0xa6: {  	v3 =	vld [tilespmem:s29+$0xE00];
	_ =	sdelay $0x1  }
.Ltmp1:
0xa7: {  	(pc) =	sbr.rel @p0 .LBB2_4-.Ltmp1, $4  }
0xa8: {  	_ = 	snop  }
0xa9: {  	v2 =	vadd.f32 v1, v2  }
0xaa: {  	s19 =	sshra.s32 s30, $0x2;
	v0 =	vadd.f32 v3, v0  }
0xab: {  	s30 =	sadd.s32 $0x40, s30;
	v1 =	vld [tilespmem:s19+$0x800];
	[tilespmem:s29+$0x1200] =	vst v2;
	s29 =	smov.u32 s19  }
0xac: {  	v2 =	vld [tilespmem:s29+$0x1200]  }
0xad: {  	v3 =	vld [tilespmem:s29+$0xE00];
	_ =	sdelay $0x3  }
0xae: {  	v1 =	vadd.f32 v1, v2  }
0xaf: {  	v0 =	vadd.f32 v3, v0  }
0xb0: {  	[tilespmem:s29+$0x1200] =	vst v1  }
0xb1: {  	s29 =	simm.s32 $0x0;
	[tilespmem:$0x1410] =	vst v0  }
0xb2: {  	s30 =	simm.s32 $0x40;
	v0 =	vimm.f32 $0.0e+00;
	v1 =	vld [tilespmem:s29+$0xA00]  }
.LBB2_6:
0xb3: {  	p0 =	sne.s32 s30, $0x7C0;
	v2 =	vld [tilespmem:s29+$0x1200]  }
0xb4: {  	v3 =	vld [tilespmem:s29+$0x1000];
	_ =	sdelay $0x1  }
.Ltmp2:
0xb5: {  	(pc) =	sbr.rel @p0 .LBB2_6-.Ltmp2, $4  }
0xb6: {  	_ = 	snop  }
0xb7: {  	v2 =	vadd.f32 v1, v2  }
0xb8: {  	s19 =	sshra.s32 s30, $0x2;
	v0 =	vadd.f32 v3, v0  }
0xb9: {  	s30 =	sadd.s32 $0x40, s30;
	v1 =	vld [tilespmem:s19+$0xA00];
	[tilespmem:s29+$0x1200] =	vst v2;
	s29 =	smov.u32 s19  }
0xba: {  	v2 =	vld [tilespmem:s29+$0x1200]  }
0xbb: {  	v3 =	vld [tilespmem:s29+$0x1000];
	_ =	sdelay $0x3  }
0xbc: {  	v1 =	vadd.f32 v1, v2  }
0xbd: {  	v0 =	vadd.f32 v3, v0  }
0xbe: {  	[tilespmem:s29+$0x1200] =	vst v1  }
0xbf: {  	s19 =	simm.s32 $0x1200;
	[tilespmem:$0x1420] =	vst v0  }
0xc0: {  	[hbm4b:s12+s1] =	stream.linear.scatter [tilespmem:s19], [sflag:$0x2], $0x200, $0x38;
	[tilespmem:$0x1480] =	vst v63  }
0xc1: {  	s25 =	sadd.s32 $0x1, s25;
	_ =	swait.ge [sflag:s15], $0x200  }
0xc2: {  	p0 =	sne.s32 s25, s14;
	[sflag:s15] =	ssyncset.done $0x0  }
.Ltmp3:
0xc3: {  	[sflag:s15] =	ssyncadd.s32 $0xFFFFFE00;
	(pc) =	sbr.rel @p0 .LBB2_1-.Ltmp3, $4  }
0xc4: {  	[hbm4b:s13+s1] =	stream.linear.scatter [tilespmem:s22], [sflag:$0x2], $0x80, $0x38;
	[tilespmem:$0x1480] =	vst v63  }
0xc5: {  	_ =	swait.ge [sflag:s15], $0x80  }
0xc6: {  	[sflag:s15] =	ssyncset.done $0x0  }
0xc7: {  	[sflag:s15] =	ssyncadd.s32 $0xFFFFFF80  }
0xc8: {  	_ =	sfence.sel $0x180000  }
0xc9: {  	[bflag:$0x0] =	sbarrier.arrive $0xFFFF  }
0xca: {  	_ =	strace $0x90000047  }
0xcb: {  	s0 =	stileid.u32;
	[bflag:$0x2] =	sbarrier.arrive $0xFFFF  }
0xcc: {  	p0 =	sne.s32 s0, $0x0;
	s0 =	rddreg [dreg:$0x5]  }
0xcd: {  	s0 =	sadd.s32 @!p0 $0x100000, s0  }
0xce: {  	[sflag:s0] =	ssyncadd.tile.s32 @!p0 $0x1;
	_ =	shalt  }
.Lfunc_end2:
_tile_overlayer_lowered:
.L_overlay_start_2:
0xcf: {  	(tag) =	ssettag $0x2  }
0xd0: {  	s0 =	rddreg [dreg:$0x0];
	s2 =	stileid.u32  }
0xd1: {  	s1 =	rddreg [dreg:$0x1];
	p0 =	sne.s32 s2, $0x0  }
0xd2: {  	s3 =	rddreg [dreg:$0x2];
	[bflag:$0x3] =	sbarrier.arrive $0xFFFF;
	s2 =	simm.s32 @!p0 $0x1C02  }
0xd3: {  	[timem:s3], [sflag:s2] =	dma.local @!p0 [hbm:s0], s1  }
0xd4: {  	s0 =	simm.s32 @!p0 $0x2  }
0xd5: {  	_ =	swait.ge @!p0 [sflag:s0], s1  }
0xd6: {  	s1 =	ssub.s32 @!p0 $0x0, s1;
	[sflag:s0] =	ssyncset.done @!p0 $0x0  }
0xd7: {  	[sflag:s0] =	ssyncadd.s32 @!p0 s1  }
0xd8: {  	[bflag:$0x3] =	sbarrier.arrive $0xFFFF  }
0xd9: {  	_ =	shalt  }

</sc_bundles>
